<compile_context>
chip_gen: v7x
topology: tpu7x:2x2x1
jax: 0.10.2.dev20260603
libtpu: 0.0.44.dev20260713+nightly
codegen_flags: <defaults>
</compile_context>

<pallas_src>
import jax
import jax.numpy as jnp
from jax import lax
from jax.experimental import pallas as pl
from jax.experimental.pallas import tpu as pltpu
from jax.experimental.pallas import tpu_sc as plsc

N_FIELDS = 26
VOCAB = 100000
D_TOKEN = 64
BATCH = 16384

NC = 2
NS = 16
L = 16
NW = NC * NS
N_ROWS = N_FIELDS * D_TOKEN
ROWS_PER_W = N_ROWS // NW

TSPLIT = 50048
HB = BATCH // 2
SC_CHUNK = 4096
POS_BITS = 13
POS_MASK = HB - 1


def _body(xc_hbm, tab_hbm, out_hbm, bufA, bufB, combo, out_v, stage, ns_s,
          semA, semB):
    wid = lax.axis_index("s") * NC + lax.axis_index("c")
    r0 = wid * ROWS_PER_W
    iota16 = lax.iota(jnp.int32, L)

    def issue_tab(rr):
        fr = rr >> 6
        dr = rr & (D_TOKEN - 1)
        pltpu.async_copy(tab_hbm.at[fr, dr, pl.ds(0, TSPLIT)], bufA, semA)
        pltpu.async_copy(tab_hbm.at[fr, dr, pl.ds(TSPLIT, VOCAB - TSPLIT)],
                         bufB, semB)

    issue_tab(r0)

    def row_step(i, last_f):
        r = r0 + i
        f = r >> 6
        d = r & (D_TOKEN - 1)

        @pl.when(f != last_f)
        def _():
            for h in range(2):
                base = HB * h

                def cchunk(q, ptrs, base=base):
                    off = pl.multiple_of(base + SC_CHUNK * q, 128)
                    pltpu.sync_copy(
                        xc_hbm.at[f, pl.ds(off, SC_CHUNK)],
                        stage)

                    def citer(t, ptrs2, q=q):
                        pA, pB = ptrs2
                        w = stage[pl.ds(t * L, L)]
                        pos = t * L + SC_CHUNK * q + iota16
                        mA = w < TSPLIT
                        miA = mA.astype(jnp.int32)
                        csA = plsc.cumsum(miA)
                        wsh = w << POS_BITS
                        plsc.store_scatter(combo, [pA - 1 + csA], wsh | pos,
                                           mask=mA)
                        totA = jnp.sum(miA)
                        csB = plsc.cumsum(1 - miA)
                        plsc.store_scatter(
                            combo, [pB - csB],
                            (wsh - (TSPLIT << POS_BITS)) | pos,
                            mask=jnp.logical_not(mA))
                        return (pA + totA, pB - (L - totA))

                    return lax.fori_loop(0, SC_CHUNK // L, citer, ptrs)

                ptrA_f, ptrB_f = lax.fori_loop(
                    0, HB // SC_CHUNK, cchunk,
                    (jnp.int32(base), jnp.int32(base + HB)))
                ns_s[2 * h] = ptrA_f - base
                ns_s[2 * h + 1] = base + HB - ptrB_f

        pltpu.make_async_copy(
            tab_hbm.at[f, d, pl.ds(0, TSPLIT)], bufA, semA).wait()
        pltpu.make_async_copy(
            tab_hbm.at[f, d, pl.ds(TSPLIT, VOCAB - TSPLIT)], bufB,
            semB).wait()

        for h in range(2):
            base = HB * h
            nA = ns_s[2 * h]

            def blk(buf, off):
                w = combo[pl.ds(off, L)]
                vals = plsc.load_gather(buf, [w >> POS_BITS])
                plsc.store_scatter(out_v, [w & POS_MASK], vals)

            kfull = nA >> 4
            k4 = kfull >> 2

            def a4(j, c2, base=base):
                for u in range(4):
                    blk(bufA, base + j * 64 + u * L)
                return c2

            def a1(j, c2, base=base):
                blk(bufA, base + j * L)
                return c2

            lax.fori_loop(0, k4, a4, 0)
            lax.fori_loop(k4 * 4, kfull, a1, 0)

            bnd = base + (nA & ~(L - 1))
            has_bnd = (nA & (L - 1)) > 0

            @pl.when(has_bnd)
            def _(base=base, bnd=bnd, nA=nA):
                w = combo[pl.ds(bnd, L)]
                msk = (bnd + iota16) < base + nA
                vals = plsc.load_gather(bufA, [w >> POS_BITS], mask=msk)
                plsc.store_scatter(out_v, [w & POS_MASK], vals, mask=msk)

            if h == 1:
                @pl.when(i + 1 < ROWS_PER_W)
                def _():
                    rn = r + 1
                    pltpu.async_copy(
                        tab_hbm.at[rn >> 6, rn & (D_TOKEN - 1),
                                   pl.ds(0, TSPLIT)], bufA, semA)

            @pl.when(has_bnd)
            def _(base=base, bnd=bnd, nA=nA):
                w = combo[pl.ds(bnd, L)]
                msk = (bnd + iota16) >= base + nA
                vals = plsc.load_gather(bufB, [w >> POS_BITS], mask=msk)
                plsc.store_scatter(out_v, [w & POS_MASK], vals, mask=msk)

            sB = (nA + L - 1) >> 4
            kB = (HB >> 4) - sB
            kB4 = kB >> 2

            def b4(j, c2, base=base, sB=sB):
                for u in range(4):
                    blk(bufB, base + (sB + j * 4 + u) * L)
                return c2

            def b1(j, c2, base=base, sB=sB):
                blk(bufB, base + (sB + j) * L)
                return c2

            lax.fori_loop(0, kB4, b4, 0)
            lax.fori_loop(kB4 * 4, kB, b1, 0)

            if h == 1:
                @pl.when(i + 1 < ROWS_PER_W)
                def _():
                    rn = r + 1
                    pltpu.async_copy(
                        tab_hbm.at[rn >> 6, rn & (D_TOKEN - 1),
                                   pl.ds(TSPLIT, VOCAB - TSPLIT)], bufB,
                        semB)

            pltpu.sync_copy(out_v, out_hbm.at[f, d, pl.ds(base, HB)])

        return f

    lax.fori_loop(0, ROWS_PER_W, row_step, -1)


@jax.jit
def _lookup(xc_t, tab_t):
    mesh = plsc.VectorSubcoreMesh(core_axis_name="c", subcore_axis_name="s")
    return pl.kernel(
        _body,
        mesh=mesh,
        out_type=jax.ShapeDtypeStruct((N_FIELDS, D_TOKEN, BATCH),
                                      jnp.float32),
        scratch_types=[
            pltpu.VMEM((TSPLIT,), jnp.float32),
            pltpu.VMEM((VOCAB - TSPLIT,), jnp.float32),
            pltpu.VMEM((BATCH,), jnp.int32),
            pltpu.VMEM((HB,), jnp.float32),
            pltpu.VMEM((SC_CHUNK,), jnp.int32),
            pltpu.SMEM((8,), jnp.int32),
            pltpu.SemaphoreType.DMA,
            pltpu.SemaphoreType.DMA,
        ],
        compiler_params=pltpu.CompilerParams(needs_layout_passes=False),
    )(xc_t, tab_t)


def kernel(x_cat, tables):
    xc_t = x_cat.astype(jnp.int32).T
    tab_t = jnp.transpose(tables, (0, 2, 1))
    out_t = _lookup(xc_t, tab_t)
    return jnp.transpose(out_t, (2, 0, 1))

# --- scband reference (transcript-rebuilt; emitter-appended) ---
"""Pipeline reference for scband-cat-token-encoder-44074954391986 (READ-ONLY COPY).

The authoritative reference and input builder live on the scoring server;
editing this copy changes nothing except your own understanding.
"""

import jax, jax.numpy as jnp
import numpy as np

N_FIELDS = 26
VOCAB = 100000
D_TOKEN = 64
BATCH = 16384

def setup_inputs(seed: int = 0) -> dict:
    key = jax.random.key(seed)
    k1, k2 = jax.random.split(key)
    x_cat = jax.random.randint(k1, (BATCH, N_FIELDS), 0, VOCAB, dtype=jnp.int64 if jax.config.jax_enable_x64 else jnp.int32)
    # stacked embedding tables: one [VOCAB, D_TOKEN] table per categorical field
    tables = jax.random.normal(k2, (N_FIELDS, VOCAB, D_TOKEN), dtype=jnp.float32) * 0.02
    return {"x_cat": x_cat, "tables": tables}

def reference(x_cat, tables):
    # per-field embedding lookup, then stack along field/token dim -> [B, n_fields, d_token]
    toks = [jnp.take(tables[i], x_cat[:, i], axis=0) for i in range(N_FIELDS)]
    return jnp.stack(toks, axis=1)

if __name__ == "__main__":
    import jax
    _d = setup_inputs()
    print(jax.jit(kernel)(*tuple(_d.values())))

</pallas_src>

<mosaic_0001>
#map = affine_map<(d0, d1) -> (0, 0)>
#map1 = affine_map<(d0, d1) -> (0, 0, 0)>
module attributes {stable_mosaic.version = 14 : i64} {
  func.func @_body(%arg0: i32, %arg1: i32, %arg2: memref<26x16384xi32, #tpu.memory_space<hbm>>, %arg3: memref<26x64x100000xf32, #tpu.memory_space<hbm>>, %arg4: memref<26x64x16384xf32, #tpu.memory_space<hbm>>, %arg5: memref<50048xf32, #tpu.memory_space<vmem>>, %arg6: memref<49952xf32, #tpu.memory_space<vmem>>, %arg7: memref<16384xi32, #tpu.memory_space<vmem>>, %arg8: memref<8192xf32, #tpu.memory_space<vmem>>, %arg9: memref<4096xi32, #tpu.memory_space<vmem>>, %arg10: memref<8xi32, #tpu.memory_space<smem>>, %arg11: memref<!tpu.dma_semaphore, #tpu.memory_space<semaphore_mem>>, %arg12: memref<!tpu.dma_semaphore, #tpu.memory_space<semaphore_mem>>) attributes {dimension_semantics = [#tpu.dimension_semantics<core_parallel>, #tpu.dimension_semantics<subcore_parallel>], iteration_bounds = array<i64: 2, 16>, scalar_prefetch = 0 : i64, scratch_operands = 8 : i64, tpu.core_type = #tpu.core_type<sc_vector_subcore>, window_params = [{transform_indices = #map}, {transform_indices = #map1}, {transform_indices = #map1}]} {
    %mul3A = arith.constant 2 : i32
    %mul3A_0 = arith.muli %arg1, %mul3A : i32
    %add3A = arith.addi %mul3A_0, %arg0 : i32
    %mul3A_1 = arith.constant 52 : i32
    %mul3A_2 = arith.muli %add3A, %mul3A_1 : i32
    %iota3A = tpu.iota {dimensions = array<i32: 0>} : vector<16xi32>
    %shift_right_arithmetic3A = arith.constant 6 : i32
    %shift_right_arithmetic3A_3 = arith.shrsi %mul3A_2, %shift_right_arithmetic3A : i32
    %and3A = arith.constant 63 : i32
    %and3A_4 = arith.andi %mul3A_2, %and3A : i32
    %dma_start3A = arith.constant 0 : i32
    %dma_start3A_5 = tpu.memref_slice %arg3[%shift_right_arithmetic3A_3, %and3A_4, %dma_start3A] : memref<26x64x100000xf32, #tpu.memory_space<hbm>> -> memref<1x1x50048xf32, #tpu.memory_space<hbm>>
    %dma_start3A_6 = tpu.memref_squeeze %dma_start3A_5 : memref<1x1x50048xf32, #tpu.memory_space<hbm>> -> memref<50048xf32, #tpu.memory_space<hbm>>
    %dma_start3A_7 = arith.constant 0 : i32
    %dma_start3A_8 = tpu.memref_slice %arg3[%shift_right_arithmetic3A_3, %and3A_4, %dma_start3A_7] : memref<26x64x100000xf32, #tpu.memory_space<hbm>> -> memref<1x1x50048xf32, #tpu.memory_space<hbm>>
    %dma_start3A_9 = tpu.memref_squeeze %dma_start3A_8 : memref<1x1x50048xf32, #tpu.memory_space<hbm>> -> memref<50048xf32, #tpu.memory_space<hbm>>
    tpu.enqueue_dma source(%dma_start3A_9 : memref<50048xf32, #tpu.memory_space<hbm>>) target(%arg5 : memref<50048xf32, #tpu.memory_space<vmem>>) target_semaphore(%arg11 : memref<!tpu.dma_semaphore, #tpu.memory_space<semaphore_mem>>)
    %dma_start3A_10 = arith.constant 50048 : i32
    %dma_start3A_11 = tpu.memref_slice %arg3[%shift_right_arithmetic3A_3, %and3A_4, %dma_start3A_10] : memref<26x64x100000xf32, #tpu.memory_space<hbm>> -> memref<1x1x49952xf32, #tpu.memory_space<hbm>>
    %dma_start3A_12 = tpu.memref_squeeze %dma_start3A_11 : memref<1x1x49952xf32, #tpu.memory_space<hbm>> -> memref<49952xf32, #tpu.memory_space<hbm>>
    %dma_start3A_13 = arith.constant 50048 : i32
    %dma_start3A_14 = tpu.memref_slice %arg3[%shift_right_arithmetic3A_3, %and3A_4, %dma_start3A_13] : memref<26x64x100000xf32, #tpu.memory_space<hbm>> -> memref<1x1x49952xf32, #tpu.memory_space<hbm>>
    %dma_start3A_15 = tpu.memref_squeeze %dma_start3A_14 : memref<1x1x49952xf32, #tpu.memory_space<hbm>> -> memref<49952xf32, #tpu.memory_space<hbm>>
    tpu.enqueue_dma source(%dma_start3A_15 : memref<49952xf32, #tpu.memory_space<hbm>>) target(%arg6 : memref<49952xf32, #tpu.memory_space<vmem>>) target_semaphore(%arg12 : memref<!tpu.dma_semaphore, #tpu.memory_space<semaphore_mem>>)
    %scan3A = arith.constant -1 : i32
    %scan3A_16 = arith.constant 0 : i32
    %scan3A_17 = arith.constant 52 : i32
    %scan3A_18 = arith.addi %scan3A_16, %scan3A_17 : i32
    %scan3A_19 = arith.constant 1 : i32
    %scan3A_20 = scf.for %scan3A_22 = %scan3A_16 to %scan3A_18 step %scan3A_19 iter_args(%scan3A_23 = %scan3A) -> (i32)  : i32 {
      %add3A_24 = arith.addi %mul3A_2, %scan3A_22 : i32
      %shift_right_arithmetic3A_25 = arith.constant 6 : i32
      %shift_right_arithmetic3A_26 = arith.shrsi %add3A_24, %shift_right_arithmetic3A_25 : i32
      %and3A_27 = arith.constant 63 : i32
      %and3A_28 = arith.andi %add3A_24, %and3A_27 : i32
      %ne3A = arith.cmpi ne, %shift_right_arithmetic3A_26, %scan3A_23 : i32
      %convert_element_type3A = arith.extui %ne3A : i1 to i32
      %cond3A = arith.constant 0 : i32
      %cond3A_29 = arith.cmpi ne, %convert_element_type3A, %cond3A : i32
      scf.if %cond3A_29 {
        %scan3A_196 = arith.constant 0 : i32
        %scan3A_197 = arith.constant 8192 : i32
        %scan3A_198 = arith.constant 0 : i32
        %scan3A_199 = arith.constant 2 : i32
        %scan3A_200 = arith.addi %scan3A_198, %scan3A_199 : i32
        %scan3A_201 = arith.constant 1 : i32
        %scan3A_202:2 = scf.for %scan3A_231 = %scan3A_198 to %scan3A_200 step %scan3A_201 iter_args(%scan3A_232 = %scan3A_196, %scan3A_233 = %scan3A_197) -> (i32, i32)  : i32 {
          %mul3A_234 = arith.constant 4096 : i32
          %mul3A_235 = arith.muli %mul3A_234, %scan3A_231 : i32
          %add3A_236 = arith.constant 0 : i32
          %add3A_237 = arith.addi %add3A_236, %mul3A_235 : i32
          %multiple_of3A = tpu.assume_multiple %add3A_237, 128 : i32
          "tpu.region"() ({
            %run_scoped3A = tpu.sem_alloc : memref<!tpu.dma_semaphore, #tpu.memory_space<semaphore_mem>>
            %dma_start3A_244 = tpu.memref_slice %arg2[%shift_right_arithmetic3A_26, %multiple_of3A] : memref<26x16384xi32, #tpu.memory_space<hbm>> -> memref<1x4096xi32, #tpu.memory_space<hbm>>
            %dma_start3A_245 = tpu.memref_squeeze %dma_start3A_244 : memref<1x4096xi32, #tpu.memory_space<hbm>> -> memref<4096xi32, #tpu.memory_space<hbm>>
            %dma_start3A_246 = tpu.memref_slice %arg2[%shift_right_arithmetic3A_26, %multiple_of3A] : memref<26x16384xi32, #tpu.memory_space<hbm>> -> memref<1x4096xi32, #tpu.memory_space<hbm>>
            %dma_start3A_247 = tpu.memref_squeeze %dma_start3A_246 : memref<1x4096xi32, #tpu.memory_space<hbm>> -> memref<4096xi32, #tpu.memory_space<hbm>>
            tpu.enqueue_dma source(%dma_start3A_247 : memref<4096xi32, #tpu.memory_space<hbm>>) target(%arg9 : memref<4096xi32, #tpu.memory_space<vmem>>) target_semaphore(%run_scoped3A : memref<!tpu.dma_semaphore, #tpu.memory_space<semaphore_mem>>)
            %dma_wait3A_248 = tpu.memref_slice %arg2[%shift_right_arithmetic3A_26, %multiple_of3A] : memref<26x16384xi32, #tpu.memory_space<hbm>> -> memref<1x4096xi32, #tpu.memory_space<hbm>>
            %dma_wait3A_249 = tpu.memref_squeeze %dma_wait3A_248 : memref<1x4096xi32, #tpu.memory_space<hbm>> -> memref<4096xi32, #tpu.memory_space<hbm>>
            %dma_wait3A_250 = tpu.memref_slice %arg2[%shift_right_arithmetic3A_26, %multiple_of3A] : memref<26x16384xi32, #tpu.memory_space<hbm>> -> memref<1x4096xi32, #tpu.memory_space<hbm>>
            %dma_wait3A_251 = tpu.memref_squeeze %dma_wait3A_250 : memref<1x4096xi32, #tpu.memory_space<hbm>> -> memref<4096xi32, #tpu.memory_space<hbm>>
            tpu.wait_dma2 semaphore(%run_scoped3A : memref<!tpu.dma_semaphore, #tpu.memory_space<semaphore_mem>>) src(%dma_wait3A_251 : memref<4096xi32, #tpu.memory_space<hbm>>) dst(%arg9 : memref<4096xi32, #tpu.memory_space<vmem>>)
            tpu.yield
          }) : () -> ()
          %scan3A_238 = arith.constant 0 : i32
          %scan3A_239 = arith.constant 256 : i32
          %scan3A_240 = arith.addi %scan3A_238, %scan3A_239 : i32
          %scan3A_241 = arith.constant 1 : i32
          %scan3A_242:2 = scf.for %scan3A_244 = %scan3A_238 to %scan3A_240 step %scan3A_241 iter_args(%scan3A_245 = %scan3A_232, %scan3A_246 = %scan3A_233) -> (i32, i32)  : i32 {
            %mul3A_247 = arith.constant 16 : i32
            %mul3A_248 = arith.muli %scan3A_244, %mul3A_247 : i32
            %get3A_249 = arith.index_cast %mul3A_248 : i32 to index
            %get3A_250 = tpu.vector_load %arg9[%get3A_249] {strides = array<i32>} : memref<4096xi32, #tpu.memory_space<vmem>>, vector<16xi32>,
            %mul3A_251 = arith.constant 16 : i32
            %mul3A_252 = arith.muli %scan3A_244, %mul3A_251 : i32
            %mul3A_253 = arith.constant 4096 : i32
            %mul3A_254 = arith.muli %mul3A_253, %scan3A_231 : i32
            %add3A_255 = arith.addi %mul3A_252, %mul3A_254 : i32
            %add3A_256 = vector.broadcast %add3A_255 : i32 to vector<16xi32>
            %add3A_257 = arith.addi %add3A_256, %iota3A : vector<16xi32>
            %lt3A_258 = arith.constant 50048 : i32
            %lt3A_259 = vector.broadcast %lt3A_258 : i32 to vector<16xi32>
            %lt3A_260 = arith.cmpi slt, %get3A_250, %lt3A_259 : vector<16xi32>
            %convert_element_type3A_261 = arith.extui %lt3A_260 : vector<16xi1> to vector<16xi32>
            %broadcast_in_dim3A = arith.constant true
            %broadcast_in_dim3A_262 = vector.broadcast %broadcast_in_dim3A : i1 to vector<16xi1>
            %masked_cumsum3A = tpu.scan <sum>, %convert_element_type3A_261 masked %broadcast_in_dim3A_262 : vector<16xi32>, vector<16xi1> -> vector<16xi32>
            %shift_left3A = arith.constant 13 : i32
            %shift_left3A_263 = vector.broadcast %shift_left3A : i32 to vector<16xi32>
            %shift_left3A_264 = arith.shli %get3A_250, %shift_left3A_263 : vector<16xi32>
            %sub3A_265 = arith.constant 1 : i32
            %sub3A_266 = arith.subi %scan3A_245, %sub3A_265 : i32
            %add3A_267 = vector.broadcast %sub3A_266 : i32 to vector<16xi32>
            %add3A_268 = arith.addi %add3A_267, %masked_cumsum3A : vector<16xi32>
            %or3A = arith.ori %shift_left3A_264, %add3A_257 : vector<16xi32>
            tpu.vector_store_idx %arg7[%add3A_268], %or3A masked %lt3A_260 : memref<16384xi32, #tpu.memory_space<vmem>>[vector<16xi32>], vector<16xi32>, vector<16xi1>
            %reduce_sum3A = arith.constant true
            %reduce_sum3A_269 = vector.broadcast %reduce_sum3A : i1 to vector<16xi1>
            %reduce_sum3A_270 = tpu.scan <sum>, %convert_element_type3A_261 masked %reduce_sum3A_269 : vector<16xi32>, vector<16xi1> -> vector<16xi32>
            %reduce_sum3A_271 = vector.extract %reduce_sum3A_270[15] : i32 from vector<16xi32>
            %sub3A_272 = arith.constant 1 : i32
            %sub3A_273 = vector.broadcast %sub3A_272 : i32 to vector<16xi32>
            %sub3A_274 = arith.subi %sub3A_273, %convert_element_type3A_261 : vector<16xi32>
            %broadcast_in_dim3A_275 = arith.constant true
            %broadcast_in_dim3A_276 = vector.broadcast %broadcast_in_dim3A_275 : i1 to vector<16xi1>
            %masked_cumsum3A_277 = tpu.scan <sum>, %sub3A_274 masked %broadcast_in_dim3A_276 : vector<16xi32>, vector<16xi1> -> vector<16xi32>
            %sub3A_278 = vector.broadcast %scan3A_246 : i32 to vector<16xi32>
            %sub3A_279 = arith.subi %sub3A_278, %masked_cumsum3A_277 : vector<16xi32>
            %sub3A_280 = arith.constant 409993216 : i32
            %sub3A_281 = vector.broadcast %sub3A_280 : i32 to vector<16xi32>
            %sub3A_282 = arith.subi %shift_left3A_264, %sub3A_281 : vector<16xi32>
            %or3A_283 = arith.ori %sub3A_282, %add3A_257 : vector<16xi32>
            %not3A = arith.constant dense<true> : vector<16xi1>
            %not3A_284 = arith.xori %lt3A_260, %not3A : vector<16xi1>
            tpu.vector_store_idx %arg7[%sub3A_279], %or3A_283 masked %not3A_284 : memref<16384xi32, #tpu.memory_space<vmem>>[vector<16xi32>], vector<16xi32>, vector<16xi1>
            %add3A_285 = arith.addi %scan3A_245, %reduce_sum3A_271 : i32
            %sub3A_286 = arith.constant 16 : i32
            %sub3A_287 = arith.subi %sub3A_286, %reduce_sum3A_271 : i32
            %sub3A_288 = arith.subi %scan3A_246, %sub3A_287 : i32
            scf.yield %add3A_285, %sub3A_288 : i32, i32
          }
          %scan3A_243 = arith.constant 256 : i32
          scf.yield %scan3A_242#0, %scan3A_242#1 : i32, i32
        }
        %scan3A_203 = arith.constant 2 : i32
        %sub3A_204 = arith.constant 0 : i32
        %sub3A_205 = arith.subi %scan3A_202#0, %sub3A_204 : i32
        %swap3A = arith.constant 0 : i32
        %swap3A_206 = arith.index_cast %swap3A : i32 to index
        %swap3A_207 = memref.load %arg10[%swap3A_206] : memref<8xi32, #tpu.memory_space<smem>>
        memref.store %sub3A_205, %arg10[%swap3A_206] : memref<8xi32, #tpu.memory_space<smem>>
        %sub3A_208 = arith.constant 8192 : i32
        %sub3A_209 = arith.subi %sub3A_208, %scan3A_202#1 : i32
        %swap3A_210 = arith.constant 1 : i32
        %swap3A_211 = arith.index_cast %swap3A_210 : i32 to index
        %swap3A_212 = memref.load %arg10[%swap3A_211] : memref<8xi32, #tpu.memory_space<smem>>
        memref.store %sub3A_209, %arg10[%swap3A_211] : memref<8xi32, #tpu.memory_space<smem>>
        %scan3A_213 = arith.constant 8192 : i32
        %scan3A_214 = arith.constant 16384 : i32
        %scan3A_215 = arith.constant 0 : i32
        %scan3A_216 = arith.constant 2 : i32
        %scan3A_217 = arith.addi %scan3A_215, %scan3A_216 : i32
        %scan3A_218 = arith.constant 1 : i32
        %scan3A_219:2 = scf.for %scan3A_231 = %scan3A_215 to %scan3A_217 step %scan3A_218 iter_args(%scan3A_232 = %scan3A_213, %scan3A_233 = %scan3A_214) -> (i32, i32)  : i32 {
          %mul3A_234 = arith.constant 4096 : i32
          %mul3A_235 = arith.muli %mul3A_234, %scan3A_231 : i32
          %add3A_236 = arith.constant 8192 : i32
          %add3A_237 = arith.addi %add3A_236, %mul3A_235 : i32
          %multiple_of3A = tpu.assume_multiple %add3A_237, 128 : i32
          "tpu.region"() ({
            %run_scoped3A = tpu.sem_alloc : memref<!tpu.dma_semaphore, #tpu.memory_space<semaphore_mem>>
            %dma_start3A_244 = tpu.memref_slice %arg2[%shift_right_arithmetic3A_26, %multiple_of3A] : memref<26x16384xi32, #tpu.memory_space<hbm>> -> memref<1x4096xi32, #tpu.memory_space<hbm>>
            %dma_start3A_245 = tpu.memref_squeeze %dma_start3A_244 : memref<1x4096xi32, #tpu.memory_space<hbm>> -> memref<4096xi32, #tpu.memory_space<hbm>>
            %dma_start3A_246 = tpu.memref_slice %arg2[%shift_right_arithmetic3A_26, %multiple_of3A] : memref<26x16384xi32, #tpu.memory_space<hbm>> -> memref<1x4096xi32, #tpu.memory_space<hbm>>
            %dma_start3A_247 = tpu.memref_squeeze %dma_start3A_246 : memref<1x4096xi32, #tpu.memory_space<hbm>> -> memref<4096xi32, #tpu.memory_space<hbm>>
            tpu.enqueue_dma source(%dma_start3A_247 : memref<4096xi32, #tpu.memory_space<hbm>>) target(%arg9 : memref<4096xi32, #tpu.memory_space<vmem>>) target_semaphore(%run_scoped3A : memref<!tpu.dma_semaphore, #tpu.memory_space<semaphore_mem>>)
            %dma_wait3A_248 = tpu.memref_slice %arg2[%shift_right_arithmetic3A_26, %multiple_of3A] : memref<26x16384xi32, #tpu.memory_space<hbm>> -> memref<1x4096xi32, #tpu.memory_space<hbm>>
            %dma_wait3A_249 = tpu.memref_squeeze %dma_wait3A_248 : memref<1x4096xi32, #tpu.memory_space<hbm>> -> memref<4096xi32, #tpu.memory_space<hbm>>
            %dma_wait3A_250 = tpu.memref_slice %arg2[%shift_right_arithmetic3A_26, %multiple_of3A] : memref<26x16384xi32, #tpu.memory_space<hbm>> -> memref<1x4096xi32, #tpu.memory_space<hbm>>
            %dma_wait3A_251 = tpu.memref_squeeze %dma_wait3A_250 : memref<1x4096xi32, #tpu.memory_space<hbm>> -> memref<4096xi32, #tpu.memory_space<hbm>>
            tpu.wait_dma2 semaphore(%run_scoped3A : memref<!tpu.dma_semaphore, #tpu.memory_space<semaphore_mem>>) src(%dma_wait3A_251 : memref<4096xi32, #tpu.memory_space<hbm>>) dst(%arg9 : memref<4096xi32, #tpu.memory_space<vmem>>)
            tpu.yield
          }) : () -> ()
          %scan3A_238 = arith.constant 0 : i32
          %scan3A_239 = arith.constant 256 : i32
          %scan3A_240 = arith.addi %scan3A_238, %scan3A_239 : i32
          %scan3A_241 = arith.constant 1 : i32
          %scan3A_242:2 = scf.for %scan3A_244 = %scan3A_238 to %scan3A_240 step %scan3A_241 iter_args(%scan3A_245 = %scan3A_232, %scan3A_246 = %scan3A_233) -> (i32, i32)  : i32 {
            %mul3A_247 = arith.constant 16 : i32
            %mul3A_248 = arith.muli %scan3A_244, %mul3A_247 : i32
            %get3A_249 = arith.index_cast %mul3A_248 : i32 to index
            %get3A_250 = tpu.vector_load %arg9[%get3A_249] {strides = array<i32>} : memref<4096xi32, #tpu.memory_space<vmem>>, vector<16xi32>,
            %mul3A_251 = arith.constant 16 : i32
            %mul3A_252 = arith.muli %scan3A_244, %mul3A_251 : i32
            %mul3A_253 = arith.constant 4096 : i32
            %mul3A_254 = arith.muli %mul3A_253, %scan3A_231 : i32
            %add3A_255 = arith.addi %mul3A_252, %mul3A_254 : i32
            %add3A_256 = vector.broadcast %add3A_255 : i32 to vector<16xi32>
            %add3A_257 = arith.addi %add3A_256, %iota3A : vector<16xi32>
            %lt3A_258 = arith.constant 50048 : i32
            %lt3A_259 = vector.broadcast %lt3A_258 : i32 to vector<16xi32>
            %lt3A_260 = arith.cmpi slt, %get3A_250, %lt3A_259 : vector<16xi32>
            %convert_element_type3A_261 = arith.extui %lt3A_260 : vector<16xi1> to vector<16xi32>
            %broadcast_in_dim3A = arith.constant true
            %broadcast_in_dim3A_262 = vector.broadcast %broadcast_in_dim3A : i1 to vector<16xi1>
            %masked_cumsum3A = tpu.scan <sum>, %convert_element_type3A_261 masked %broadcast_in_dim3A_262 : vector<16xi32>, vector<16xi1> -> vector<16xi32>
            %shift_left3A = arith.constant 13 : i32
            %shift_left3A_263 = vector.broadcast %shift_left3A : i32 to vector<16xi32>
            %shift_left3A_264 = arith.shli %get3A_250, %shift_left3A_263 : vector<16xi32>
            %sub3A_265 = arith.constant 1 : i32
            %sub3A_266 = arith.subi %scan3A_245, %sub3A_265 : i32
            %add3A_267 = vector.broadcast %sub3A_266 : i32 to vector<16xi32>
            %add3A_268 = arith.addi %add3A_267, %masked_cumsum3A : vector<16xi32>
            %or3A = arith.ori %shift_left3A_264, %add3A_257 : vector<16xi32>
            tpu.vector_store_idx %arg7[%add3A_268], %or3A masked %lt3A_260 : memref<16384xi32, #tpu.memory_space<vmem>>[vector<16xi32>], vector<16xi32>, vector<16xi1>
            %reduce_sum3A = arith.constant true
            %reduce_sum3A_269 = vector.broadcast %reduce_sum3A : i1 to vector<16xi1>
            %reduce_sum3A_270 = tpu.scan <sum>, %convert_element_type3A_261 masked %reduce_sum3A_269 : vector<16xi32>, vector<16xi1> -> vector<16xi32>
            %reduce_sum3A_271 = vector.extract %reduce_sum3A_270[15] : i32 from vector<16xi32>
            %sub3A_272 = arith.constant 1 : i32
            %sub3A_273 = vector.broadcast %sub3A_272 : i32 to vector<16xi32>
            %sub3A_274 = arith.subi %sub3A_273, %convert_element_type3A_261 : vector<16xi32>
            %broadcast_in_dim3A_275 = arith.constant true
            %broadcast_in_dim3A_276 = vector.broadcast %broadcast_in_dim3A_275 : i1 to vector<16xi1>
            %masked_cumsum3A_277 = tpu.scan <sum>, %sub3A_274 masked %broadcast_in_dim3A_276 : vector<16xi32>, vector<16xi1> -> vector<16xi32>
            %sub3A_278 = vector.broadcast %scan3A_246 : i32 to vector<16xi32>
            %sub3A_279 = arith.subi %sub3A_278, %masked_cumsum3A_277 : vector<16xi32>
            %sub3A_280 = arith.constant 409993216 : i32
            %sub3A_281 = vector.broadcast %sub3A_280 : i32 to vector<16xi32>
            %sub3A_282 = arith.subi %shift_left3A_264, %sub3A_281 : vector<16xi32>
            %or3A_283 = arith.ori %sub3A_282, %add3A_257 : vector<16xi32>
            %not3A = arith.constant dense<true> : vector<16xi1>
            %not3A_284 = arith.xori %lt3A_260, %not3A : vector<16xi1>
            tpu.vector_store_idx %arg7[%sub3A_279], %or3A_283 masked %not3A_284 : memref<16384xi32, #tpu.memory_space<vmem>>[vector<16xi32>], vector<16xi32>, vector<16xi1>
            %add3A_285 = arith.addi %scan3A_245, %reduce_sum3A_271 : i32
            %sub3A_286 = arith.constant 16 : i32
            %sub3A_287 = arith.subi %sub3A_286, %reduce_sum3A_271 : i32
            %sub3A_288 = arith.subi %scan3A_246, %sub3A_287 : i32
            scf.yield %add3A_285, %sub3A_288 : i32, i32
          }
          %scan3A_243 = arith.constant 256 : i32
          scf.yield %scan3A_242#0, %scan3A_242#1 : i32, i32
        }
        %scan3A_220 = arith.constant 2 : i32
        %sub3A_221 = arith.constant 8192 : i32
        %sub3A_222 = arith.subi %scan3A_219#0, %sub3A_221 : i32
        %swap3A_223 = arith.constant 2 : i32
        %swap3A_224 = arith.index_cast %swap3A_223 : i32 to index
        %swap3A_225 = memref.load %arg10[%swap3A_224] : memref<8xi32, #tpu.memory_space<smem>>
        memref.store %sub3A_222, %arg10[%swap3A_224] : memref<8xi32, #tpu.memory_space<smem>>
        %sub3A_226 = arith.constant 16384 : i32
        %sub3A_227 = arith.subi %sub3A_226, %scan3A_219#1 : i32
        %swap3A_228 = arith.constant 3 : i32
        %swap3A_229 = arith.index_cast %swap3A_228 : i32 to index
        %swap3A_230 = memref.load %arg10[%swap3A_229] : memref<8xi32, #tpu.memory_space<smem>>
        memref.store %sub3A_227, %arg10[%swap3A_229] : memref<8xi32, #tpu.memory_space<smem>>
      } else {
      }
      %dma_wait3A = arith.constant 0 : i32
      %dma_wait3A_30 = tpu.memref_slice %arg3[%shift_right_arithmetic3A_26, %and3A_28, %dma_wait3A] : memref<26x64x100000xf32, #tpu.memory_space<hbm>> -> memref<1x1x50048xf32, #tpu.memory_space<hbm>>
      %dma_wait3A_31 = tpu.memref_squeeze %dma_wait3A_30 : memref<1x1x50048xf32, #tpu.memory_space<hbm>> -> memref<50048xf32, #tpu.memory_space<hbm>>
      %dma_wait3A_32 = arith.constant 0 : i32
      %dma_wait3A_33 = tpu.memref_slice %arg3[%shift_right_arithmetic3A_26, %and3A_28, %dma_wait3A_32] : memref<26x64x100000xf32, #tpu.memory_space<hbm>> -> memref<1x1x50048xf32, #tpu.memory_space<hbm>>
      %dma_wait3A_34 = tpu.memref_squeeze %dma_wait3A_33 : memref<1x1x50048xf32, #tpu.memory_space<hbm>> -> memref<50048xf32, #tpu.memory_space<hbm>>
      tpu.wait_dma2 semaphore(%arg11 : memref<!tpu.dma_semaphore, #tpu.memory_space<semaphore_mem>>) src(%dma_wait3A_34 : memref<50048xf32, #tpu.memory_space<hbm>>) dst(%arg5 : memref<50048xf32, #tpu.memory_space<vmem>>)
      %dma_wait3A_35 = arith.constant 50048 : i32
      %dma_wait3A_36 = tpu.memref_slice %arg3[%shift_right_arithmetic3A_26, %and3A_28, %dma_wait3A_35] : memref<26x64x100000xf32, #tpu.memory_space<hbm>> -> memref<1x1x49952xf32, #tpu.memory_space<hbm>>
      %dma_wait3A_37 = tpu.memref_squeeze %dma_wait3A_36 : memref<1x1x49952xf32, #tpu.memory_space<hbm>> -> memref<49952xf32, #tpu.memory_space<hbm>>
      %dma_wait3A_38 = arith.constant 50048 : i32
      %dma_wait3A_39 = tpu.memref_slice %arg3[%shift_right_arithmetic3A_26, %and3A_28, %dma_wait3A_38] : memref<26x64x100000xf32, #tpu.memory_space<hbm>> -> memref<1x1x49952xf32, #tpu.memory_space<hbm>>
      %dma_wait3A_40 = tpu.memref_squeeze %dma_wait3A_39 : memref<1x1x49952xf32, #tpu.memory_space<hbm>> -> memref<49952xf32, #tpu.memory_space<hbm>>
      tpu.wait_dma2 semaphore(%arg12 : memref<!tpu.dma_semaphore, #tpu.memory_space<semaphore_mem>>) src(%dma_wait3A_40 : memref<49952xf32, #tpu.memory_space<hbm>>) dst(%arg6 : memref<49952xf32, #tpu.memory_space<vmem>>)
      %get3A = arith.constant 0 : i32
      %get3A_41 = arith.index_cast %get3A : i32 to index
      %get3A_42 = memref.load %arg10[%get3A_41] : memref<8xi32, #tpu.memory_space<smem>>
      %shift_right_arithmetic3A_43 = arith.constant 4 : i32
      %shift_right_arithmetic3A_44 = arith.shrsi %get3A_42, %shift_right_arithmetic3A_43 : i32
      %shift_right_arithmetic3A_45 = arith.constant 2 : i32
      %shift_right_arithmetic3A_46 = arith.shrsi %shift_right_arithmetic3A_44, %shift_right_arithmetic3A_45 : i32
      %while3A = arith.constant 0 : i32
      %while3A_47 = arith.constant 0 : i32
      %while3A_48 = arith.subi %shift_right_arithmetic3A_46, %while3A_47 : i32
      %while3A_49 = arith.addi %while3A_47, %while3A_48 : i32
      %while3A_50 = arith.constant 1 : i32
      %while3A_51 = arith.divsi %while3A_48, %while3A_50 : i32
      %while3A_52 = arith.muli %while3A_51, %while3A_50 : i32
      %while3A_53 = arith.addi %while3A_47, %while3A_52 : i32
      %while3A_54 = arith.constant 1 : i32
      scf.for %while3A_196 = %while3A_47 to %while3A_53 step %while3A_54  : i32 {
        %mul3A_197 = arith.constant 64 : i32
        %mul3A_198 = arith.muli %while3A_196, %mul3A_197 : i32
        %add3A_199 = arith.constant 0 : i32
        %add3A_200 = arith.addi %add3A_199, %mul3A_198 : i32
        %add3A_201 = arith.constant 0 : i32
        %add3A_202 = arith.addi %add3A_200, %add3A_201 : i32
        %get3A_203 = arith.index_cast %add3A_202 : i32 to index
        %get3A_204 = tpu.vector_load %arg7[%get3A_203] {strides = array<i32>} : memref<16384xi32, #tpu.memory_space<vmem>>, vector<16xi32>,
        %shift_right_arithmetic3A_205 = arith.constant 13 : i32
        %shift_right_arithmetic3A_206 = vector.broadcast %shift_right_arithmetic3A_205 : i32 to vector<16xi32>
        %shift_right_arithmetic3A_207 = arith.shrsi %get3A_204, %shift_right_arithmetic3A_206 : vector<16xi32>
        %gather3A = tpu.vector_load_idx %arg5[%shift_right_arithmetic3A_207] : memref<50048xf32, #tpu.memory_space<vmem>>[vector<16xi32>], vector<16xf32>,
        %and3A_208 = arith.constant 8191 : i32
        %and3A_209 = vector.broadcast %and3A_208 : i32 to vector<16xi32>
        %and3A_210 = arith.andi %get3A_204, %and3A_209 : vector<16xi32>
        tpu.vector_store_idx %arg8[%and3A_210], %gather3A : memref<8192xf32, #tpu.memory_space<vmem>>[vector<16xi32>], vector<16xf32>,
        %mul3A_211 = arith.constant 64 : i32
        %mul3A_212 = arith.muli %while3A_196, %mul3A_211 : i32
        %add3A_213 = arith.constant 0 : i32
        %add3A_214 = arith.addi %add3A_213, %mul3A_212 : i32
        %add3A_215 = arith.constant 16 : i32
        %add3A_216 = arith.addi %add3A_214, %add3A_215 : i32
        %get3A_217 = arith.index_cast %add3A_216 : i32 to index
        %get3A_218 = tpu.vector_load %arg7[%get3A_217] {strides = array<i32>} : memref<16384xi32, #tpu.memory_space<vmem>>, vector<16xi32>,
        %shift_right_arithmetic3A_219 = arith.constant 13 : i32
        %shift_right_arithmetic3A_220 = vector.broadcast %shift_right_arithmetic3A_219 : i32 to vector<16xi32>
        %shift_right_arithmetic3A_221 = arith.shrsi %get3A_218, %shift_right_arithmetic3A_220 : vector<16xi32>
        %gather3A_222 = tpu.vector_load_idx %arg5[%shift_right_arithmetic3A_221] : memref<50048xf32, #tpu.memory_space<vmem>>[vector<16xi32>], vector<16xf32>,
        %and3A_223 = arith.constant 8191 : i32
        %and3A_224 = vector.broadcast %and3A_223 : i32 to vector<16xi32>
        %and3A_225 = arith.andi %get3A_218, %and3A_224 : vector<16xi32>
        tpu.vector_store_idx %arg8[%and3A_225], %gather3A_222 : memref<8192xf32, #tpu.memory_space<vmem>>[vector<16xi32>], vector<16xf32>,
        %mul3A_226 = arith.constant 64 : i32
        %mul3A_227 = arith.muli %while3A_196, %mul3A_226 : i32
        %add3A_228 = arith.constant 0 : i32
        %add3A_229 = arith.addi %add3A_228, %mul3A_227 : i32
        %add3A_230 = arith.constant 32 : i32
        %add3A_231 = arith.addi %add3A_229, %add3A_230 : i32
        %get3A_232 = arith.index_cast %add3A_231 : i32 to index
        %get3A_233 = tpu.vector_load %arg7[%get3A_232] {strides = array<i32>} : memref<16384xi32, #tpu.memory_space<vmem>>, vector<16xi32>,
        %shift_right_arithmetic3A_234 = arith.constant 13 : i32
        %shift_right_arithmetic3A_235 = vector.broadcast %shift_right_arithmetic3A_234 : i32 to vector<16xi32>
        %shift_right_arithmetic3A_236 = arith.shrsi %get3A_233, %shift_right_arithmetic3A_235 : vector<16xi32>
        %gather3A_237 = tpu.vector_load_idx %arg5[%shift_right_arithmetic3A_236] : memref<50048xf32, #tpu.memory_space<vmem>>[vector<16xi32>], vector<16xf32>,
        %and3A_238 = arith.constant 8191 : i32
        %and3A_239 = vector.broadcast %and3A_238 : i32 to vector<16xi32>
        %and3A_240 = arith.andi %get3A_233, %and3A_239 : vector<16xi32>
        tpu.vector_store_idx %arg8[%and3A_240], %gather3A_237 : memref<8192xf32, #tpu.memory_space<vmem>>[vector<16xi32>], vector<16xf32>,
        %mul3A_241 = arith.constant 64 : i32
        %mul3A_242 = arith.muli %while3A_196, %mul3A_241 : i32
        %add3A_243 = arith.constant 0 : i32
        %add3A_244 = arith.addi %add3A_243, %mul3A_242 : i32
        %add3A_245 = arith.constant 48 : i32
        %add3A_246 = arith.addi %add3A_244, %add3A_245 : i32
        %get3A_247 = arith.index_cast %add3A_246 : i32 to index
        %get3A_248 = tpu.vector_load %arg7[%get3A_247] {strides = array<i32>} : memref<16384xi32, #tpu.memory_space<vmem>>, vector<16xi32>,
        %shift_right_arithmetic3A_249 = arith.constant 13 : i32
        %shift_right_arithmetic3A_250 = vector.broadcast %shift_right_arithmetic3A_249 : i32 to vector<16xi32>
        %shift_right_arithmetic3A_251 = arith.shrsi %get3A_248, %shift_right_arithmetic3A_250 : vector<16xi32>
        %gather3A_252 = tpu.vector_load_idx %arg5[%shift_right_arithmetic3A_251] : memref<50048xf32, #tpu.memory_space<vmem>>[vector<16xi32>], vector<16xf32>,
        %and3A_253 = arith.constant 8191 : i32
        %and3A_254 = vector.broadcast %and3A_253 : i32 to vector<16xi32>
        %and3A_255 = arith.andi %get3A_248, %and3A_254 : vector<16xi32>
        tpu.vector_store_idx %arg8[%and3A_255], %gather3A_252 : memref<8192xf32, #tpu.memory_space<vmem>>[vector<16xi32>], vector<16xf32>,
      }
      %while3A_55 = arith.constant 1 : i32
      scf.for %while3A_196 = %while3A_53 to %while3A_49 step %while3A_55  : i32 {
        %mul3A_197 = arith.constant 64 : i32
        %mul3A_198 = arith.muli %while3A_196, %mul3A_197 : i32
        %add3A_199 = arith.constant 0 : i32
        %add3A_200 = arith.addi %add3A_199, %mul3A_198 : i32
        %add3A_201 = arith.constant 0 : i32
        %add3A_202 = arith.addi %add3A_200, %add3A_201 : i32
        %get3A_203 = arith.index_cast %add3A_202 : i32 to index
        %get3A_204 = tpu.vector_load %arg7[%get3A_203] {strides = array<i32>} : memref<16384xi32, #tpu.memory_space<vmem>>, vector<16xi32>,
        %shift_right_arithmetic3A_205 = arith.constant 13 : i32
        %shift_right_arithmetic3A_206 = vector.broadcast %shift_right_arithmetic3A_205 : i32 to vector<16xi32>
        %shift_right_arithmetic3A_207 = arith.shrsi %get3A_204, %shift_right_arithmetic3A_206 : vector<16xi32>
        %gather3A = tpu.vector_load_idx %arg5[%shift_right_arithmetic3A_207] : memref<50048xf32, #tpu.memory_space<vmem>>[vector<16xi32>], vector<16xf32>,
        %and3A_208 = arith.constant 8191 : i32
        %and3A_209 = vector.broadcast %and3A_208 : i32 to vector<16xi32>
        %and3A_210 = arith.andi %get3A_204, %and3A_209 : vector<16xi32>
        tpu.vector_store_idx %arg8[%and3A_210], %gather3A : memref<8192xf32, #tpu.memory_space<vmem>>[vector<16xi32>], vector<16xf32>,
        %mul3A_211 = arith.constant 64 : i32
        %mul3A_212 = arith.muli %while3A_196, %mul3A_211 : i32
        %add3A_213 = arith.constant 0 : i32
        %add3A_214 = arith.addi %add3A_213, %mul3A_212 : i32
        %add3A_215 = arith.constant 16 : i32
        %add3A_216 = arith.addi %add3A_214, %add3A_215 : i32
        %get3A_217 = arith.index_cast %add3A_216 : i32 to index
        %get3A_218 = tpu.vector_load %arg7[%get3A_217] {strides = array<i32>} : memref<16384xi32, #tpu.memory_space<vmem>>, vector<16xi32>,
        %shift_right_arithmetic3A_219 = arith.constant 13 : i32
        %shift_right_arithmetic3A_220 = vector.broadcast %shift_right_arithmetic3A_219 : i32 to vector<16xi32>
        %shift_right_arithmetic3A_221 = arith.shrsi %get3A_218, %shift_right_arithmetic3A_220 : vector<16xi32>
        %gather3A_222 = tpu.vector_load_idx %arg5[%shift_right_arithmetic3A_221] : memref<50048xf32, #tpu.memory_space<vmem>>[vector<16xi32>], vector<16xf32>,
        %and3A_223 = arith.constant 8191 : i32
        %and3A_224 = vector.broadcast %and3A_223 : i32 to vector<16xi32>
        %and3A_225 = arith.andi %get3A_218, %and3A_224 : vector<16xi32>
        tpu.vector_store_idx %arg8[%and3A_225], %gather3A_222 : memref<8192xf32, #tpu.memory_space<vmem>>[vector<16xi32>], vector<16xf32>,
        %mul3A_226 = arith.constant 64 : i32
        %mul3A_227 = arith.muli %while3A_196, %mul3A_226 : i32
        %add3A_228 = arith.constant 0 : i32
        %add3A_229 = arith.addi %add3A_228, %mul3A_227 : i32
        %add3A_230 = arith.constant 32 : i32
        %add3A_231 = arith.addi %add3A_229, %add3A_230 : i32
        %get3A_232 = arith.index_cast %add3A_231 : i32 to index
        %get3A_233 = tpu.vector_load %arg7[%get3A_232] {strides = array<i32>} : memref<16384xi32, #tpu.memory_space<vmem>>, vector<16xi32>,
        %shift_right_arithmetic3A_234 = arith.constant 13 : i32
        %shift_right_arithmetic3A_235 = vector.broadcast %shift_right_arithmetic3A_234 : i32 to vector<16xi32>
        %shift_right_arithmetic3A_236 = arith.shrsi %get3A_233, %shift_right_arithmetic3A_235 : vector<16xi32>
        %gather3A_237 = tpu.vector_load_idx %arg5[%shift_right_arithmetic3A_236] : memref<50048xf32, #tpu.memory_space<vmem>>[vector<16xi32>], vector<16xf32>,
        %and3A_238 = arith.constant 8191 : i32
        %and3A_239 = vector.broadcast %and3A_238 : i32 to vector<16xi32>
        %and3A_240 = arith.andi %get3A_233, %and3A_239 : vector<16xi32>
        tpu.vector_store_idx %arg8[%and3A_240], %gather3A_237 : memref<8192xf32, #tpu.memory_space<vmem>>[vector<16xi32>], vector<16xf32>,
        %mul3A_241 = arith.constant 64 : i32
        %mul3A_242 = arith.muli %while3A_196, %mul3A_241 : i32
        %add3A_243 = arith.constant 0 : i32
        %add3A_244 = arith.addi %add3A_243, %mul3A_242 : i32
        %add3A_245 = arith.constant 48 : i32
        %add3A_246 = arith.addi %add3A_244, %add3A_245 : i32
        %get3A_247 = arith.index_cast %add3A_246 : i32 to index
        %get3A_248 = tpu.vector_load %arg7[%get3A_247] {strides = array<i32>} : memref<16384xi32, #tpu.memory_space<vmem>>, vector<16xi32>,
        %shift_right_arithmetic3A_249 = arith.constant 13 : i32
        %shift_right_arithmetic3A_250 = vector.broadcast %shift_right_arithmetic3A_249 : i32 to vector<16xi32>
        %shift_right_arithmetic3A_251 = arith.shrsi %get3A_248, %shift_right_arithmetic3A_250 : vector<16xi32>
        %gather3A_252 = tpu.vector_load_idx %arg5[%shift_right_arithmetic3A_251] : memref<50048xf32, #tpu.memory_space<vmem>>[vector<16xi32>], vector<16xf32>,
        %and3A_253 = arith.constant 8191 : i32
        %and3A_254 = vector.broadcast %and3A_253 : i32 to vector<16xi32>
        %and3A_255 = arith.andi %get3A_248, %and3A_254 : vector<16xi32>
        tpu.vector_store_idx %arg8[%and3A_255], %gather3A_252 : memref<8192xf32, #tpu.memory_space<vmem>>[vector<16xi32>], vector<16xf32>,
      }
      %mul3A_56 = arith.constant 4 : i32
      %mul3A_57 = arith.muli %shift_right_arithmetic3A_46, %mul3A_56 : i32
      %while3A_58 = arith.constant 0 : i32
      %while3A_59 = arith.subi %shift_right_arithmetic3A_44, %mul3A_57 : i32
      %while3A_60 = arith.addi %mul3A_57, %while3A_59 : i32
      %while3A_61 = arith.constant 1 : i32
      %while3A_62 = arith.divsi %while3A_59, %while3A_61 : i32
      %while3A_63 = arith.muli %while3A_62, %while3A_61 : i32
      %while3A_64 = arith.addi %mul3A_57, %while3A_63 : i32
      %while3A_65 = arith.constant 1 : i32
      scf.for %while3A_196 = %mul3A_57 to %while3A_64 step %while3A_65  : i32 {
        %mul3A_197 = arith.constant 16 : i32
        %mul3A_198 = arith.muli %while3A_196, %mul3A_197 : i32
        %add3A_199 = arith.constant 0 : i32
        %add3A_200 = arith.addi %add3A_199, %mul3A_198 : i32
        %get3A_201 = arith.index_cast %add3A_200 : i32 to index
        %get3A_202 = tpu.vector_load %arg7[%get3A_201] {strides = array<i32>} : memref<16384xi32, #tpu.memory_space<vmem>>, vector<16xi32>,
        %shift_right_arithmetic3A_203 = arith.constant 13 : i32
        %shift_right_arithmetic3A_204 = vector.broadcast %shift_right_arithmetic3A_203 : i32 to vector<16xi32>
        %shift_right_arithmetic3A_205 = arith.shrsi %get3A_202, %shift_right_arithmetic3A_204 : vector<16xi32>
        %gather3A = tpu.vector_load_idx %arg5[%shift_right_arithmetic3A_205] : memref<50048xf32, #tpu.memory_space<vmem>>[vector<16xi32>], vector<16xf32>,
        %and3A_206 = arith.constant 8191 : i32
        %and3A_207 = vector.broadcast %and3A_206 : i32 to vector<16xi32>
        %and3A_208 = arith.andi %get3A_202, %and3A_207 : vector<16xi32>
        tpu.vector_store_idx %arg8[%and3A_208], %gather3A : memref<8192xf32, #tpu.memory_space<vmem>>[vector<16xi32>], vector<16xf32>,
      }
      %while3A_66 = arith.constant 1 : i32
      scf.for %while3A_196 = %while3A_64 to %while3A_60 step %while3A_66  : i32 {
        %mul3A_197 = arith.constant 16 : i32
        %mul3A_198 = arith.muli %while3A_196, %mul3A_197 : i32
        %add3A_199 = arith.constant 0 : i32
        %add3A_200 = arith.addi %add3A_199, %mul3A_198 : i32
        %get3A_201 = arith.index_cast %add3A_200 : i32 to index
        %get3A_202 = tpu.vector_load %arg7[%get3A_201] {strides = array<i32>} : memref<16384xi32, #tpu.memory_space<vmem>>, vector<16xi32>,
        %shift_right_arithmetic3A_203 = arith.constant 13 : i32
        %shift_right_arithmetic3A_204 = vector.broadcast %shift_right_arithmetic3A_203 : i32 to vector<16xi32>
        %shift_right_arithmetic3A_205 = arith.shrsi %get3A_202, %shift_right_arithmetic3A_204 : vector<16xi32>
        %gather3A = tpu.vector_load_idx %arg5[%shift_right_arithmetic3A_205] : memref<50048xf32, #tpu.memory_space<vmem>>[vector<16xi32>], vector<16xf32>,
        %and3A_206 = arith.constant 8191 : i32
        %and3A_207 = vector.broadcast %and3A_206 : i32 to vector<16xi32>
        %and3A_208 = arith.andi %get3A_202, %and3A_207 : vector<16xi32>
        tpu.vector_store_idx %arg8[%and3A_208], %gather3A : memref<8192xf32, #tpu.memory_space<vmem>>[vector<16xi32>], vector<16xf32>,
      }
      %and3A_67 = arith.constant -16 : i32
      %and3A_68 = arith.andi %get3A_42, %and3A_67 : i32
      %add3A_69 = arith.constant 0 : i32
      %add3A_70 = arith.addi %add3A_69, %and3A_68 : i32
      %and3A_71 = arith.constant 15 : i32
      %and3A_72 = arith.andi %get3A_42, %and3A_71 : i32
      %gt3A = arith.constant 0 : i32
      %gt3A_73 = arith.cmpi sgt, %and3A_72, %gt3A : i32
      %convert_element_type3A_74 = arith.extui %gt3A_73 : i1 to i32
      %cond3A_75 = arith.constant 0 : i32
      %cond3A_76 = arith.cmpi ne, %convert_element_type3A_74, %cond3A_75 : i32
      scf.if %cond3A_76 {
        %get3A_196 = arith.index_cast %add3A_70 : i32 to index
        %get3A_197 = tpu.vector_load %arg7[%get3A_196] {strides = array<i32>} : memref<16384xi32, #tpu.memory_space<vmem>>, vector<16xi32>,
        %add3A_198 = vector.broadcast %add3A_70 : i32 to vector<16xi32>
        %add3A_199 = arith.addi %add3A_198, %iota3A : vector<16xi32>
        %add3A_200 = arith.constant 0 : i32
        %add3A_201 = arith.addi %add3A_200, %get3A_42 : i32
        %lt3A_202 = vector.broadcast %add3A_201 : i32 to vector<16xi32>
        %lt3A_203 = arith.cmpi slt, %add3A_199, %lt3A_202 : vector<16xi32>
        %shift_right_arithmetic3A_204 = arith.constant 13 : i32
        %shift_right_arithmetic3A_205 = vector.broadcast %shift_right_arithmetic3A_204 : i32 to vector<16xi32>
        %shift_right_arithmetic3A_206 = arith.shrsi %get3A_197, %shift_right_arithmetic3A_205 : vector<16xi32>
        %gather3A = tpu.vector_load_idx %arg5[%shift_right_arithmetic3A_206] masked %lt3A_203 : memref<50048xf32, #tpu.memory_space<vmem>>[vector<16xi32>], vector<16xf32>, vector<16xi1>
        %and3A_207 = arith.constant 8191 : i32
        %and3A_208 = vector.broadcast %and3A_207 : i32 to vector<16xi32>
        %and3A_209 = arith.andi %get3A_197, %and3A_208 : vector<16xi32>
        tpu.vector_store_idx %arg8[%and3A_209], %gather3A masked %lt3A_203 : memref<8192xf32, #tpu.memory_space<vmem>>[vector<16xi32>], vector<16xf32>, vector<16xi1>
      } else {
      }
      %convert_element_type3A_77 = arith.extui %gt3A_73 : i1 to i32
      %cond3A_78 = arith.constant 0 : i32
      %cond3A_79 = arith.cmpi ne, %convert_element_type3A_77, %cond3A_78 : i32
      scf.if %cond3A_79 {
        %get3A_196 = arith.index_cast %add3A_70 : i32 to index
        %get3A_197 = tpu.vector_load %arg7[%get3A_196] {strides = array<i32>} : memref<16384xi32, #tpu.memory_space<vmem>>, vector<16xi32>,
        %add3A_198 = vector.broadcast %add3A_70 : i32 to vector<16xi32>
        %add3A_199 = arith.addi %add3A_198, %iota3A : vector<16xi32>
        %add3A_200 = arith.constant 0 : i32
        %add3A_201 = arith.addi %add3A_200, %get3A_42 : i32
        %ge3A = vector.broadcast %add3A_201 : i32 to vector<16xi32>
        %ge3A_202 = arith.cmpi sge, %add3A_199, %ge3A : vector<16xi32>
        %shift_right_arithmetic3A_203 = arith.constant 13 : i32
        %shift_right_arithmetic3A_204 = vector.broadcast %shift_right_arithmetic3A_203 : i32 to vector<16xi32>
        %shift_right_arithmetic3A_205 = arith.shrsi %get3A_197, %shift_right_arithmetic3A_204 : vector<16xi32>
        %gather3A = tpu.vector_load_idx %arg6[%shift_right_arithmetic3A_205] masked %ge3A_202 : memref<49952xf32, #tpu.memory_space<vmem>>[vector<16xi32>], vector<16xf32>, vector<16xi1>
        %and3A_206 = arith.constant 8191 : i32
        %and3A_207 = vector.broadcast %and3A_206 : i32 to vector<16xi32>
        %and3A_208 = arith.andi %get3A_197, %and3A_207 : vector<16xi32>
        tpu.vector_store_idx %arg8[%and3A_208], %gather3A masked %ge3A_202 : memref<8192xf32, #tpu.memory_space<vmem>>[vector<16xi32>], vector<16xf32>, vector<16xi1>
      } else {
      }
      %add3A_80 = arith.constant 16 : i32
      %add3A_81 = arith.addi %get3A_42, %add3A_80 : i32
      %sub3A = arith.constant 1 : i32
      %sub3A_82 = arith.subi %add3A_81, %sub3A : i32
      %shift_right_arithmetic3A_83 = arith.constant 4 : i32
      %shift_right_arithmetic3A_84 = arith.shrsi %sub3A_82, %shift_right_arithmetic3A_83 : i32
      %sub3A_85 = arith.constant 512 : i32
      %sub3A_86 = arith.subi %sub3A_85, %shift_right_arithmetic3A_84 : i32
      %shift_right_arithmetic3A_87 = arith.constant 2 : i32
      %shift_right_arithmetic3A_88 = arith.shrsi %sub3A_86, %shift_right_arithmetic3A_87 : i32
      %while3A_89 = arith.constant 0 : i32
      %while3A_90 = arith.constant 0 : i32
      %while3A_91 = arith.subi %shift_right_arithmetic3A_88, %while3A_90 : i32
      %while3A_92 = arith.addi %while3A_90, %while3A_91 : i32
      %while3A_93 = arith.constant 1 : i32
      %while3A_94 = arith.divsi %while3A_91, %while3A_93 : i32
      %while3A_95 = arith.muli %while3A_94, %while3A_93 : i32
      %while3A_96 = arith.addi %while3A_90, %while3A_95 : i32
      %while3A_97 = arith.constant 1 : i32
      scf.for %while3A_196 = %while3A_90 to %while3A_96 step %while3A_97  : i32 {
        %mul3A_197 = arith.constant 4 : i32
        %mul3A_198 = arith.muli %while3A_196, %mul3A_197 : i32
        %add3A_199 = arith.addi %shift_right_arithmetic3A_84, %mul3A_198 : i32
        %add3A_200 = arith.constant 0 : i32
        %add3A_201 = arith.addi %add3A_199, %add3A_200 : i32
        %mul3A_202 = arith.constant 16 : i32
        %mul3A_203 = arith.muli %add3A_201, %mul3A_202 : i32
        %add3A_204 = arith.constant 0 : i32
        %add3A_205 = arith.addi %add3A_204, %mul3A_203 : i32
        %get3A_206 = arith.index_cast %add3A_205 : i32 to index
        %get3A_207 = tpu.vector_load %arg7[%get3A_206] {strides = array<i32>} : memref<16384xi32, #tpu.memory_space<vmem>>, vector<16xi32>,
        %shift_right_arithmetic3A_208 = arith.constant 13 : i32
        %shift_right_arithmetic3A_209 = vector.broadcast %shift_right_arithmetic3A_208 : i32 to vector<16xi32>
        %shift_right_arithmetic3A_210 = arith.shrsi %get3A_207, %shift_right_arithmetic3A_209 : vector<16xi32>
        %gather3A = tpu.vector_load_idx %arg6[%shift_right_arithmetic3A_210] : memref<49952xf32, #tpu.memory_space<vmem>>[vector<16xi32>], vector<16xf32>,
        %and3A_211 = arith.constant 8191 : i32
        %and3A_212 = vector.broadcast %and3A_211 : i32 to vector<16xi32>
        %and3A_213 = arith.andi %get3A_207, %and3A_212 : vector<16xi32>
        tpu.vector_store_idx %arg8[%and3A_213], %gather3A : memref<8192xf32, #tpu.memory_space<vmem>>[vector<16xi32>], vector<16xf32>,
        %mul3A_214 = arith.constant 4 : i32
        %mul3A_215 = arith.muli %while3A_196, %mul3A_214 : i32
        %add3A_216 = arith.addi %shift_right_arithmetic3A_84, %mul3A_215 : i32
        %add3A_217 = arith.constant 1 : i32
        %add3A_218 = arith.addi %add3A_216, %add3A_217 : i32
        %mul3A_219 = arith.constant 16 : i32
        %mul3A_220 = arith.muli %add3A_218, %mul3A_219 : i32
        %add3A_221 = arith.constant 0 : i32
        %add3A_222 = arith.addi %add3A_221, %mul3A_220 : i32
        %get3A_223 = arith.index_cast %add3A_222 : i32 to index
        %get3A_224 = tpu.vector_load %arg7[%get3A_223] {strides = array<i32>} : memref<16384xi32, #tpu.memory_space<vmem>>, vector<16xi32>,
        %shift_right_arithmetic3A_225 = arith.constant 13 : i32
        %shift_right_arithmetic3A_226 = vector.broadcast %shift_right_arithmetic3A_225 : i32 to vector<16xi32>
        %shift_right_arithmetic3A_227 = arith.shrsi %get3A_224, %shift_right_arithmetic3A_226 : vector<16xi32>
        %gather3A_228 = tpu.vector_load_idx %arg6[%shift_right_arithmetic3A_227] : memref<49952xf32, #tpu.memory_space<vmem>>[vector<16xi32>], vector<16xf32>,
        %and3A_229 = arith.constant 8191 : i32
        %and3A_230 = vector.broadcast %and3A_229 : i32 to vector<16xi32>
        %and3A_231 = arith.andi %get3A_224, %and3A_230 : vector<16xi32>
        tpu.vector_store_idx %arg8[%and3A_231], %gather3A_228 : memref<8192xf32, #tpu.memory_space<vmem>>[vector<16xi32>], vector<16xf32>,
        %mul3A_232 = arith.constant 4 : i32
        %mul3A_233 = arith.muli %while3A_196, %mul3A_232 : i32
        %add3A_234 = arith.addi %shift_right_arithmetic3A_84, %mul3A_233 : i32
        %add3A_235 = arith.constant 2 : i32
        %add3A_236 = arith.addi %add3A_234, %add3A_235 : i32
        %mul3A_237 = arith.constant 16 : i32
        %mul3A_238 = arith.muli %add3A_236, %mul3A_237 : i32
        %add3A_239 = arith.constant 0 : i32
        %add3A_240 = arith.addi %add3A_239, %mul3A_238 : i32
        %get3A_241 = arith.index_cast %add3A_240 : i32 to index
        %get3A_242 = tpu.vector_load %arg7[%get3A_241] {strides = array<i32>} : memref<16384xi32, #tpu.memory_space<vmem>>, vector<16xi32>,
        %shift_right_arithmetic3A_243 = arith.constant 13 : i32
        %shift_right_arithmetic3A_244 = vector.broadcast %shift_right_arithmetic3A_243 : i32 to vector<16xi32>
        %shift_right_arithmetic3A_245 = arith.shrsi %get3A_242, %shift_right_arithmetic3A_244 : vector<16xi32>
        %gather3A_246 = tpu.vector_load_idx %arg6[%shift_right_arithmetic3A_245] : memref<49952xf32, #tpu.memory_space<vmem>>[vector<16xi32>], vector<16xf32>,
        %and3A_247 = arith.constant 8191 : i32
        %and3A_248 = vector.broadcast %and3A_247 : i32 to vector<16xi32>
        %and3A_249 = arith.andi %get3A_242, %and3A_248 : vector<16xi32>
        tpu.vector_store_idx %arg8[%and3A_249], %gather3A_246 : memref<8192xf32, #tpu.memory_space<vmem>>[vector<16xi32>], vector<16xf32>,
        %mul3A_250 = arith.constant 4 : i32
        %mul3A_251 = arith.muli %while3A_196, %mul3A_250 : i32
        %add3A_252 = arith.addi %shift_right_arithmetic3A_84, %mul3A_251 : i32
        %add3A_253 = arith.constant 3 : i32
        %add3A_254 = arith.addi %add3A_252, %add3A_253 : i32
        %mul3A_255 = arith.constant 16 : i32
        %mul3A_256 = arith.muli %add3A_254, %mul3A_255 : i32
        %add3A_257 = arith.constant 0 : i32
        %add3A_258 = arith.addi %add3A_257, %mul3A_256 : i32
        %get3A_259 = arith.index_cast %add3A_258 : i32 to index
        %get3A_260 = tpu.vector_load %arg7[%get3A_259] {strides = array<i32>} : memref<16384xi32, #tpu.memory_space<vmem>>, vector<16xi32>,
        %shift_right_arithmetic3A_261 = arith.constant 13 : i32
        %shift_right_arithmetic3A_262 = vector.broadcast %shift_right_arithmetic3A_261 : i32 to vector<16xi32>
        %shift_right_arithmetic3A_263 = arith.shrsi %get3A_260, %shift_right_arithmetic3A_262 : vector<16xi32>
        %gather3A_264 = tpu.vector_load_idx %arg6[%shift_right_arithmetic3A_263] : memref<49952xf32, #tpu.memory_space<vmem>>[vector<16xi32>], vector<16xf32>,
        %and3A_265 = arith.constant 8191 : i32
        %and3A_266 = vector.broadcast %and3A_265 : i32 to vector<16xi32>
        %and3A_267 = arith.andi %get3A_260, %and3A_266 : vector<16xi32>
        tpu.vector_store_idx %arg8[%and3A_267], %gather3A_264 : memref<8192xf32, #tpu.memory_space<vmem>>[vector<16xi32>], vector<16xf32>,
      }
      %while3A_98 = arith.constant 1 : i32
      scf.for %while3A_196 = %while3A_96 to %while3A_92 step %while3A_98  : i32 {
        %mul3A_197 = arith.constant 4 : i32
        %mul3A_198 = arith.muli %while3A_196, %mul3A_197 : i32
        %add3A_199 = arith.addi %shift_right_arithmetic3A_84, %mul3A_198 : i32
        %add3A_200 = arith.constant 0 : i32
        %add3A_201 = arith.addi %add3A_199, %add3A_200 : i32
        %mul3A_202 = arith.constant 16 : i32
        %mul3A_203 = arith.muli %add3A_201, %mul3A_202 : i32
        %add3A_204 = arith.constant 0 : i32
        %add3A_205 = arith.addi %add3A_204, %mul3A_203 : i32
        %get3A_206 = arith.index_cast %add3A_205 : i32 to index
        %get3A_207 = tpu.vector_load %arg7[%get3A_206] {strides = array<i32>} : memref<16384xi32, #tpu.memory_space<vmem>>, vector<16xi32>,
        %shift_right_arithmetic3A_208 = arith.constant 13 : i32
        %shift_right_arithmetic3A_209 = vector.broadcast %shift_right_arithmetic3A_208 : i32 to vector<16xi32>
        %shift_right_arithmetic3A_210 = arith.shrsi %get3A_207, %shift_right_arithmetic3A_209 : vector<16xi32>
        %gather3A = tpu.vector_load_idx %arg6[%shift_right_arithmetic3A_210] : memref<49952xf32, #tpu.memory_space<vmem>>[vector<16xi32>], vector<16xf32>,
        %and3A_211 = arith.constant 8191 : i32
        %and3A_212 = vector.broadcast %and3A_211 : i32 to vector<16xi32>
        %and3A_213 = arith.andi %get3A_207, %and3A_212 : vector<16xi32>
        tpu.vector_store_idx %arg8[%and3A_213], %gather3A : memref<8192xf32, #tpu.memory_space<vmem>>[vector<16xi32>], vector<16xf32>,
        %mul3A_214 = arith.constant 4 : i32
        %mul3A_215 = arith.muli %while3A_196, %mul3A_214 : i32
        %add3A_216 = arith.addi %shift_right_arithmetic3A_84, %mul3A_215 : i32
        %add3A_217 = arith.constant 1 : i32
        %add3A_218 = arith.addi %add3A_216, %add3A_217 : i32
        %mul3A_219 = arith.constant 16 : i32
        %mul3A_220 = arith.muli %add3A_218, %mul3A_219 : i32
        %add3A_221 = arith.constant 0 : i32
        %add3A_222 = arith.addi %add3A_221, %mul3A_220 : i32
        %get3A_223 = arith.index_cast %add3A_222 : i32 to index
        %get3A_224 = tpu.vector_load %arg7[%get3A_223] {strides = array<i32>} : memref<16384xi32, #tpu.memory_space<vmem>>, vector<16xi32>,
        %shift_right_arithmetic3A_225 = arith.constant 13 : i32
        %shift_right_arithmetic3A_226 = vector.broadcast %shift_right_arithmetic3A_225 : i32 to vector<16xi32>
        %shift_right_arithmetic3A_227 = arith.shrsi %get3A_224, %shift_right_arithmetic3A_226 : vector<16xi32>
        %gather3A_228 = tpu.vector_load_idx %arg6[%shift_right_arithmetic3A_227] : memref<49952xf32, #tpu.memory_space<vmem>>[vector<16xi32>], vector<16xf32>,
        %and3A_229 = arith.constant 8191 : i32
        %and3A_230 = vector.broadcast %and3A_229 : i32 to vector<16xi32>
        %and3A_231 = arith.andi %get3A_224, %and3A_230 : vector<16xi32>
        tpu.vector_store_idx %arg8[%and3A_231], %gather3A_228 : memref<8192xf32, #tpu.memory_space<vmem>>[vector<16xi32>], vector<16xf32>,
        %mul3A_232 = arith.constant 4 : i32
        %mul3A_233 = arith.muli %while3A_196, %mul3A_232 : i32
        %add3A_234 = arith.addi %shift_right_arithmetic3A_84, %mul3A_233 : i32
        %add3A_235 = arith.constant 2 : i32
        %add3A_236 = arith.addi %add3A_234, %add3A_235 : i32
        %mul3A_237 = arith.constant 16 : i32
        %mul3A_238 = arith.muli %add3A_236, %mul3A_237 : i32
        %add3A_239 = arith.constant 0 : i32
        %add3A_240 = arith.addi %add3A_239, %mul3A_238 : i32
        %get3A_241 = arith.index_cast %add3A_240 : i32 to index
        %get3A_242 = tpu.vector_load %arg7[%get3A_241] {strides = array<i32>} : memref<16384xi32, #tpu.memory_space<vmem>>, vector<16xi32>,
        %shift_right_arithmetic3A_243 = arith.constant 13 : i32
        %shift_right_arithmetic3A_244 = vector.broadcast %shift_right_arithmetic3A_243 : i32 to vector<16xi32>
        %shift_right_arithmetic3A_245 = arith.shrsi %get3A_242, %shift_right_arithmetic3A_244 : vector<16xi32>
        %gather3A_246 = tpu.vector_load_idx %arg6[%shift_right_arithmetic3A_245] : memref<49952xf32, #tpu.memory_space<vmem>>[vector<16xi32>], vector<16xf32>,
        %and3A_247 = arith.constant 8191 : i32
        %and3A_248 = vector.broadcast %and3A_247 : i32 to vector<16xi32>
        %and3A_249 = arith.andi %get3A_242, %and3A_248 : vector<16xi32>
        tpu.vector_store_idx %arg8[%and3A_249], %gather3A_246 : memref<8192xf32, #tpu.memory_space<vmem>>[vector<16xi32>], vector<16xf32>,
        %mul3A_250 = arith.constant 4 : i32
        %mul3A_251 = arith.muli %while3A_196, %mul3A_250 : i32
        %add3A_252 = arith.addi %shift_right_arithmetic3A_84, %mul3A_251 : i32
        %add3A_253 = arith.constant 3 : i32
        %add3A_254 = arith.addi %add3A_252, %add3A_253 : i32
        %mul3A_255 = arith.constant 16 : i32
        %mul3A_256 = arith.muli %add3A_254, %mul3A_255 : i32
        %add3A_257 = arith.constant 0 : i32
        %add3A_258 = arith.addi %add3A_257, %mul3A_256 : i32
        %get3A_259 = arith.index_cast %add3A_258 : i32 to index
        %get3A_260 = tpu.vector_load %arg7[%get3A_259] {strides = array<i32>} : memref<16384xi32, #tpu.memory_space<vmem>>, vector<16xi32>,
        %shift_right_arithmetic3A_261 = arith.constant 13 : i32
        %shift_right_arithmetic3A_262 = vector.broadcast %shift_right_arithmetic3A_261 : i32 to vector<16xi32>
        %shift_right_arithmetic3A_263 = arith.shrsi %get3A_260, %shift_right_arithmetic3A_262 : vector<16xi32>
        %gather3A_264 = tpu.vector_load_idx %arg6[%shift_right_arithmetic3A_263] : memref<49952xf32, #tpu.memory_space<vmem>>[vector<16xi32>], vector<16xf32>,
        %and3A_265 = arith.constant 8191 : i32
        %and3A_266 = vector.broadcast %and3A_265 : i32 to vector<16xi32>
        %and3A_267 = arith.andi %get3A_260, %and3A_266 : vector<16xi32>
        tpu.vector_store_idx %arg8[%and3A_267], %gather3A_264 : memref<8192xf32, #tpu.memory_space<vmem>>[vector<16xi32>], vector<16xf32>,
      }
      %mul3A_99 = arith.constant 4 : i32
      %mul3A_100 = arith.muli %shift_right_arithmetic3A_88, %mul3A_99 : i32
      %while3A_101 = arith.constant 0 : i32
      %while3A_102 = arith.subi %sub3A_86, %mul3A_100 : i32
      %while3A_103 = arith.addi %mul3A_100, %while3A_102 : i32
      %while3A_104 = arith.constant 1 : i32
      %while3A_105 = arith.divsi %while3A_102, %while3A_104 : i32
      %while3A_106 = arith.muli %while3A_105, %while3A_104 : i32
      %while3A_107 = arith.addi %mul3A_100, %while3A_106 : i32
      %while3A_108 = arith.constant 1 : i32
      scf.for %while3A_196 = %mul3A_100 to %while3A_107 step %while3A_108  : i32 {
        %add3A_197 = arith.addi %shift_right_arithmetic3A_84, %while3A_196 : i32
        %mul3A_198 = arith.constant 16 : i32
        %mul3A_199 = arith.muli %add3A_197, %mul3A_198 : i32
        %add3A_200 = arith.constant 0 : i32
        %add3A_201 = arith.addi %add3A_200, %mul3A_199 : i32
        %get3A_202 = arith.index_cast %add3A_201 : i32 to index
        %get3A_203 = tpu.vector_load %arg7[%get3A_202] {strides = array<i32>} : memref<16384xi32, #tpu.memory_space<vmem>>, vector<16xi32>,
        %shift_right_arithmetic3A_204 = arith.constant 13 : i32
        %shift_right_arithmetic3A_205 = vector.broadcast %shift_right_arithmetic3A_204 : i32 to vector<16xi32>
        %shift_right_arithmetic3A_206 = arith.shrsi %get3A_203, %shift_right_arithmetic3A_205 : vector<16xi32>
        %gather3A = tpu.vector_load_idx %arg6[%shift_right_arithmetic3A_206] : memref<49952xf32, #tpu.memory_space<vmem>>[vector<16xi32>], vector<16xf32>,
        %and3A_207 = arith.constant 8191 : i32
        %and3A_208 = vector.broadcast %and3A_207 : i32 to vector<16xi32>
        %and3A_209 = arith.andi %get3A_203, %and3A_208 : vector<16xi32>
        tpu.vector_store_idx %arg8[%and3A_209], %gather3A : memref<8192xf32, #tpu.memory_space<vmem>>[vector<16xi32>], vector<16xf32>,
      }
      %while3A_109 = arith.constant 1 : i32
      scf.for %while3A_196 = %while3A_107 to %while3A_103 step %while3A_109  : i32 {
        %add3A_197 = arith.addi %shift_right_arithmetic3A_84, %while3A_196 : i32
        %mul3A_198 = arith.constant 16 : i32
        %mul3A_199 = arith.muli %add3A_197, %mul3A_198 : i32
        %add3A_200 = arith.constant 0 : i32
        %add3A_201 = arith.addi %add3A_200, %mul3A_199 : i32
        %get3A_202 = arith.index_cast %add3A_201 : i32 to index
        %get3A_203 = tpu.vector_load %arg7[%get3A_202] {strides = array<i32>} : memref<16384xi32, #tpu.memory_space<vmem>>, vector<16xi32>,
        %shift_right_arithmetic3A_204 = arith.constant 13 : i32
        %shift_right_arithmetic3A_205 = vector.broadcast %shift_right_arithmetic3A_204 : i32 to vector<16xi32>
        %shift_right_arithmetic3A_206 = arith.shrsi %get3A_203, %shift_right_arithmetic3A_205 : vector<16xi32>
        %gather3A = tpu.vector_load_idx %arg6[%shift_right_arithmetic3A_206] : memref<49952xf32, #tpu.memory_space<vmem>>[vector<16xi32>], vector<16xf32>,
        %and3A_207 = arith.constant 8191 : i32
        %and3A_208 = vector.broadcast %and3A_207 : i32 to vector<16xi32>
        %and3A_209 = arith.andi %get3A_203, %and3A_208 : vector<16xi32>
        tpu.vector_store_idx %arg8[%and3A_209], %gather3A : memref<8192xf32, #tpu.memory_space<vmem>>[vector<16xi32>], vector<16xf32>,
      }
      "tpu.region"() ({
        %run_scoped3A = tpu.sem_alloc : memref<!tpu.dma_semaphore, #tpu.memory_space<semaphore_mem>>
        %dma_start3A_196 = arith.constant 0 : i32
        %dma_start3A_197 = tpu.memref_slice %arg4[%shift_right_arithmetic3A_26, %and3A_28, %dma_start3A_196] : memref<26x64x16384xf32, #tpu.memory_space<hbm>> -> memref<1x1x8192xf32, #tpu.memory_space<hbm>>
        %dma_start3A_198 = tpu.memref_squeeze %dma_start3A_197 : memref<1x1x8192xf32, #tpu.memory_space<hbm>> -> memref<8192xf32, #tpu.memory_space<hbm>>
        %dma_start3A_199 = arith.constant 0 : i32
        %dma_start3A_200 = tpu.memref_slice %arg4[%shift_right_arithmetic3A_26, %and3A_28, %dma_start3A_199] : memref<26x64x16384xf32, #tpu.memory_space<hbm>> -> memref<1x1x8192xf32, #tpu.memory_space<hbm>>
        %dma_start3A_201 = tpu.memref_squeeze %dma_start3A_200 : memref<1x1x8192xf32, #tpu.memory_space<hbm>> -> memref<8192xf32, #tpu.memory_space<hbm>>
        tpu.enqueue_dma source(%arg8 : memref<8192xf32, #tpu.memory_space<vmem>>) target(%dma_start3A_201 : memref<8192xf32, #tpu.memory_space<hbm>>) target_semaphore(%run_scoped3A : memref<!tpu.dma_semaphore, #tpu.memory_space<semaphore_mem>>)
        %dma_wait3A_202 = arith.constant 0 : i32
        %dma_wait3A_203 = tpu.memref_slice %arg4[%shift_right_arithmetic3A_26, %and3A_28, %dma_wait3A_202] : memref<26x64x16384xf32, #tpu.memory_space<hbm>> -> memref<1x1x8192xf32, #tpu.memory_space<hbm>>
        %dma_wait3A_204 = tpu.memref_squeeze %dma_wait3A_203 : memref<1x1x8192xf32, #tpu.memory_space<hbm>> -> memref<8192xf32, #tpu.memory_space<hbm>>
        %dma_wait3A_205 = arith.constant 0 : i32
        %dma_wait3A_206 = tpu.memref_slice %arg4[%shift_right_arithmetic3A_26, %and3A_28, %dma_wait3A_205] : memref<26x64x16384xf32, #tpu.memory_space<hbm>> -> memref<1x1x8192xf32, #tpu.memory_space<hbm>>
        %dma_wait3A_207 = tpu.memref_squeeze %dma_wait3A_206 : memref<1x1x8192xf32, #tpu.memory_space<hbm>> -> memref<8192xf32, #tpu.memory_space<hbm>>
        tpu.wait_dma2 semaphore(%run_scoped3A : memref<!tpu.dma_semaphore, #tpu.memory_space<semaphore_mem>>) src(%arg8 : memref<8192xf32, #tpu.memory_space<vmem>>) dst(%dma_wait3A_207 : memref<8192xf32, #tpu.memory_space<hbm>>)
        tpu.yield
      }) : () -> ()
      %get3A_110 = arith.constant 2 : i32
      %get3A_111 = arith.index_cast %get3A_110 : i32 to index
      %get3A_112 = memref.load %arg10[%get3A_111] : memref<8xi32, #tpu.memory_space<smem>>
      %shift_right_arithmetic3A_113 = arith.constant 4 : i32
      %shift_right_arithmetic3A_114 = arith.shrsi %get3A_112, %shift_right_arithmetic3A_113 : i32
      %shift_right_arithmetic3A_115 = arith.constant 2 : i32
      %shift_right_arithmetic3A_116 = arith.shrsi %shift_right_arithmetic3A_114, %shift_right_arithmetic3A_115 : i32
      %while3A_117 = arith.constant 0 : i32
      %while3A_118 = arith.constant 0 : i32
      %while3A_119 = arith.subi %shift_right_arithmetic3A_116, %while3A_118 : i32
      %while3A_120 = arith.addi %while3A_118, %while3A_119 : i32
      %while3A_121 = arith.constant 1 : i32
      %while3A_122 = arith.divsi %while3A_119, %while3A_121 : i32
      %while3A_123 = arith.muli %while3A_122, %while3A_121 : i32
      %while3A_124 = arith.addi %while3A_118, %while3A_123 : i32
      %while3A_125 = arith.constant 1 : i32
      scf.for %while3A_196 = %while3A_118 to %while3A_124 step %while3A_125  : i32 {
        %mul3A_197 = arith.constant 64 : i32
        %mul3A_198 = arith.muli %while3A_196, %mul3A_197 : i32
        %add3A_199 = arith.constant 8192 : i32
        %add3A_200 = arith.addi %add3A_199, %mul3A_198 : i32
        %add3A_201 = arith.constant 0 : i32
        %add3A_202 = arith.addi %add3A_200, %add3A_201 : i32
        %get3A_203 = arith.index_cast %add3A_202 : i32 to index
        %get3A_204 = tpu.vector_load %arg7[%get3A_203] {strides = array<i32>} : memref<16384xi32, #tpu.memory_space<vmem>>, vector<16xi32>,
        %shift_right_arithmetic3A_205 = arith.constant 13 : i32
        %shift_right_arithmetic3A_206 = vector.broadcast %shift_right_arithmetic3A_205 : i32 to vector<16xi32>
        %shift_right_arithmetic3A_207 = arith.shrsi %get3A_204, %shift_right_arithmetic3A_206 : vector<16xi32>
        %gather3A = tpu.vector_load_idx %arg5[%shift_right_arithmetic3A_207] : memref<50048xf32, #tpu.memory_space<vmem>>[vector<16xi32>], vector<16xf32>,
        %and3A_208 = arith.constant 8191 : i32
        %and3A_209 = vector.broadcast %and3A_208 : i32 to vector<16xi32>
        %and3A_210 = arith.andi %get3A_204, %and3A_209 : vector<16xi32>
        tpu.vector_store_idx %arg8[%and3A_210], %gather3A : memref<8192xf32, #tpu.memory_space<vmem>>[vector<16xi32>], vector<16xf32>,
        %mul3A_211 = arith.constant 64 : i32
        %mul3A_212 = arith.muli %while3A_196, %mul3A_211 : i32
        %add3A_213 = arith.constant 8192 : i32
        %add3A_214 = arith.addi %add3A_213, %mul3A_212 : i32
        %add3A_215 = arith.constant 16 : i32
        %add3A_216 = arith.addi %add3A_214, %add3A_215 : i32
        %get3A_217 = arith.index_cast %add3A_216 : i32 to index
        %get3A_218 = tpu.vector_load %arg7[%get3A_217] {strides = array<i32>} : memref<16384xi32, #tpu.memory_space<vmem>>, vector<16xi32>,
        %shift_right_arithmetic3A_219 = arith.constant 13 : i32
        %shift_right_arithmetic3A_220 = vector.broadcast %shift_right_arithmetic3A_219 : i32 to vector<16xi32>
        %shift_right_arithmetic3A_221 = arith.shrsi %get3A_218, %shift_right_arithmetic3A_220 : vector<16xi32>
        %gather3A_222 = tpu.vector_load_idx %arg5[%shift_right_arithmetic3A_221] : memref<50048xf32, #tpu.memory_space<vmem>>[vector<16xi32>], vector<16xf32>,
        %and3A_223 = arith.constant 8191 : i32
        %and3A_224 = vector.broadcast %and3A_223 : i32 to vector<16xi32>
        %and3A_225 = arith.andi %get3A_218, %and3A_224 : vector<16xi32>
        tpu.vector_store_idx %arg8[%and3A_225], %gather3A_222 : memref<8192xf32, #tpu.memory_space<vmem>>[vector<16xi32>], vector<16xf32>,
        %mul3A_226 = arith.constant 64 : i32
        %mul3A_227 = arith.muli %while3A_196, %mul3A_226 : i32
        %add3A_228 = arith.constant 8192 : i32
        %add3A_229 = arith.addi %add3A_228, %mul3A_227 : i32
        %add3A_230 = arith.constant 32 : i32
        %add3A_231 = arith.addi %add3A_229, %add3A_230 : i32
        %get3A_232 = arith.index_cast %add3A_231 : i32 to index
        %get3A_233 = tpu.vector_load %arg7[%get3A_232] {strides = array<i32>} : memref<16384xi32, #tpu.memory_space<vmem>>, vector<16xi32>,
        %shift_right_arithmetic3A_234 = arith.constant 13 : i32
        %shift_right_arithmetic3A_235 = vector.broadcast %shift_right_arithmetic3A_234 : i32 to vector<16xi32>
        %shift_right_arithmetic3A_236 = arith.shrsi %get3A_233, %shift_right_arithmetic3A_235 : vector<16xi32>
        %gather3A_237 = tpu.vector_load_idx %arg5[%shift_right_arithmetic3A_236] : memref<50048xf32, #tpu.memory_space<vmem>>[vector<16xi32>], vector<16xf32>,
        %and3A_238 = arith.constant 8191 : i32
        %and3A_239 = vector.broadcast %and3A_238 : i32 to vector<16xi32>
        %and3A_240 = arith.andi %get3A_233, %and3A_239 : vector<16xi32>
        tpu.vector_store_idx %arg8[%and3A_240], %gather3A_237 : memref<8192xf32, #tpu.memory_space<vmem>>[vector<16xi32>], vector<16xf32>,
        %mul3A_241 = arith.constant 64 : i32
        %mul3A_242 = arith.muli %while3A_196, %mul3A_241 : i32
        %add3A_243 = arith.constant 8192 : i32
        %add3A_244 = arith.addi %add3A_243, %mul3A_242 : i32
        %add3A_245 = arith.constant 48 : i32
        %add3A_246 = arith.addi %add3A_244, %add3A_245 : i32
        %get3A_247 = arith.index_cast %add3A_246 : i32 to index
        %get3A_248 = tpu.vector_load %arg7[%get3A_247] {strides = array<i32>} : memref<16384xi32, #tpu.memory_space<vmem>>, vector<16xi32>,
        %shift_right_arithmetic3A_249 = arith.constant 13 : i32
        %shift_right_arithmetic3A_250 = vector.broadcast %shift_right_arithmetic3A_249 : i32 to vector<16xi32>
        %shift_right_arithmetic3A_251 = arith.shrsi %get3A_248, %shift_right_arithmetic3A_250 : vector<16xi32>
        %gather3A_252 = tpu.vector_load_idx %arg5[%shift_right_arithmetic3A_251] : memref<50048xf32, #tpu.memory_space<vmem>>[vector<16xi32>], vector<16xf32>,
        %and3A_253 = arith.constant 8191 : i32
        %and3A_254 = vector.broadcast %and3A_253 : i32 to vector<16xi32>
        %and3A_255 = arith.andi %get3A_248, %and3A_254 : vector<16xi32>
        tpu.vector_store_idx %arg8[%and3A_255], %gather3A_252 : memref<8192xf32, #tpu.memory_space<vmem>>[vector<16xi32>], vector<16xf32>,
      }
      %while3A_126 = arith.constant 1 : i32
      scf.for %while3A_196 = %while3A_124 to %while3A_120 step %while3A_126  : i32 {
        %mul3A_197 = arith.constant 64 : i32
        %mul3A_198 = arith.muli %while3A_196, %mul3A_197 : i32
        %add3A_199 = arith.constant 8192 : i32
        %add3A_200 = arith.addi %add3A_199, %mul3A_198 : i32
        %add3A_201 = arith.constant 0 : i32
        %add3A_202 = arith.addi %add3A_200, %add3A_201 : i32
        %get3A_203 = arith.index_cast %add3A_202 : i32 to index
        %get3A_204 = tpu.vector_load %arg7[%get3A_203] {strides = array<i32>} : memref<16384xi32, #tpu.memory_space<vmem>>, vector<16xi32>,
        %shift_right_arithmetic3A_205 = arith.constant 13 : i32
        %shift_right_arithmetic3A_206 = vector.broadcast %shift_right_arithmetic3A_205 : i32 to vector<16xi32>
        %shift_right_arithmetic3A_207 = arith.shrsi %get3A_204, %shift_right_arithmetic3A_206 : vector<16xi32>
        %gather3A = tpu.vector_load_idx %arg5[%shift_right_arithmetic3A_207] : memref<50048xf32, #tpu.memory_space<vmem>>[vector<16xi32>], vector<16xf32>,
        %and3A_208 = arith.constant 8191 : i32
        %and3A_209 = vector.broadcast %and3A_208 : i32 to vector<16xi32>
        %and3A_210 = arith.andi %get3A_204, %and3A_209 : vector<16xi32>
        tpu.vector_store_idx %arg8[%and3A_210], %gather3A : memref<8192xf32, #tpu.memory_space<vmem>>[vector<16xi32>], vector<16xf32>,
        %mul3A_211 = arith.constant 64 : i32
        %mul3A_212 = arith.muli %while3A_196, %mul3A_211 : i32
        %add3A_213 = arith.constant 8192 : i32
        %add3A_214 = arith.addi %add3A_213, %mul3A_212 : i32
        %add3A_215 = arith.constant 16 : i32
        %add3A_216 = arith.addi %add3A_214, %add3A_215 : i32
        %get3A_217 = arith.index_cast %add3A_216 : i32 to index
        %get3A_218 = tpu.vector_load %arg7[%get3A_217] {strides = array<i32>} : memref<16384xi32, #tpu.memory_space<vmem>>, vector<16xi32>,
        %shift_right_arithmetic3A_219 = arith.constant 13 : i32
        %shift_right_arithmetic3A_220 = vector.broadcast %shift_right_arithmetic3A_219 : i32 to vector<16xi32>
        %shift_right_arithmetic3A_221 = arith.shrsi %get3A_218, %shift_right_arithmetic3A_220 : vector<16xi32>
        %gather3A_222 = tpu.vector_load_idx %arg5[%shift_right_arithmetic3A_221] : memref<50048xf32, #tpu.memory_space<vmem>>[vector<16xi32>], vector<16xf32>,
        %and3A_223 = arith.constant 8191 : i32
        %and3A_224 = vector.broadcast %and3A_223 : i32 to vector<16xi32>
        %and3A_225 = arith.andi %get3A_218, %and3A_224 : vector<16xi32>
        tpu.vector_store_idx %arg8[%and3A_225], %gather3A_222 : memref<8192xf32, #tpu.memory_space<vmem>>[vector<16xi32>], vector<16xf32>,
        %mul3A_226 = arith.constant 64 : i32
        %mul3A_227 = arith.muli %while3A_196, %mul3A_226 : i32
        %add3A_228 = arith.constant 8192 : i32
        %add3A_229 = arith.addi %add3A_228, %mul3A_227 : i32
        %add3A_230 = arith.constant 32 : i32
        %add3A_231 = arith.addi %add3A_229, %add3A_230 : i32
        %get3A_232 = arith.index_cast %add3A_231 : i32 to index
        %get3A_233 = tpu.vector_load %arg7[%get3A_232] {strides = array<i32>} : memref<16384xi32, #tpu.memory_space<vmem>>, vector<16xi32>,
        %shift_right_arithmetic3A_234 = arith.constant 13 : i32
        %shift_right_arithmetic3A_235 = vector.broadcast %shift_right_arithmetic3A_234 : i32 to vector<16xi32>
        %shift_right_arithmetic3A_236 = arith.shrsi %get3A_233, %shift_right_arithmetic3A_235 : vector<16xi32>
        %gather3A_237 = tpu.vector_load_idx %arg5[%shift_right_arithmetic3A_236] : memref<50048xf32, #tpu.memory_space<vmem>>[vector<16xi32>], vector<16xf32>,
        %and3A_238 = arith.constant 8191 : i32
        %and3A_239 = vector.broadcast %and3A_238 : i32 to vector<16xi32>
        %and3A_240 = arith.andi %get3A_233, %and3A_239 : vector<16xi32>
        tpu.vector_store_idx %arg8[%and3A_240], %gather3A_237 : memref<8192xf32, #tpu.memory_space<vmem>>[vector<16xi32>], vector<16xf32>,
        %mul3A_241 = arith.constant 64 : i32
        %mul3A_242 = arith.muli %while3A_196, %mul3A_241 : i32
        %add3A_243 = arith.constant 8192 : i32
        %add3A_244 = arith.addi %add3A_243, %mul3A_242 : i32
        %add3A_245 = arith.constant 48 : i32
        %add3A_246 = arith.addi %add3A_244, %add3A_245 : i32
        %get3A_247 = arith.index_cast %add3A_246 : i32 to index
        %get3A_248 = tpu.vector_load %arg7[%get3A_247] {strides = array<i32>} : memref<16384xi32, #tpu.memory_space<vmem>>, vector<16xi32>,
        %shift_right_arithmetic3A_249 = arith.constant 13 : i32
        %shift_right_arithmetic3A_250 = vector.broadcast %shift_right_arithmetic3A_249 : i32 to vector<16xi32>
        %shift_right_arithmetic3A_251 = arith.shrsi %get3A_248, %shift_right_arithmetic3A_250 : vector<16xi32>
        %gather3A_252 = tpu.vector_load_idx %arg5[%shift_right_arithmetic3A_251] : memref<50048xf32, #tpu.memory_space<vmem>>[vector<16xi32>], vector<16xf32>,
        %and3A_253 = arith.constant 8191 : i32
        %and3A_254 = vector.broadcast %and3A_253 : i32 to vector<16xi32>
        %and3A_255 = arith.andi %get3A_248, %and3A_254 : vector<16xi32>
        tpu.vector_store_idx %arg8[%and3A_255], %gather3A_252 : memref<8192xf32, #tpu.memory_space<vmem>>[vector<16xi32>], vector<16xf32>,
      }
      %mul3A_127 = arith.constant 4 : i32
      %mul3A_128 = arith.muli %shift_right_arithmetic3A_116, %mul3A_127 : i32
      %while3A_129 = arith.constant 0 : i32
      %while3A_130 = arith.subi %shift_right_arithmetic3A_114, %mul3A_128 : i32
      %while3A_131 = arith.addi %mul3A_128, %while3A_130 : i32
      %while3A_132 = arith.constant 1 : i32
      %while3A_133 = arith.divsi %while3A_130, %while3A_132 : i32
      %while3A_134 = arith.muli %while3A_133, %while3A_132 : i32
      %while3A_135 = arith.addi %mul3A_128, %while3A_134 : i32
      %while3A_136 = arith.constant 1 : i32
      scf.for %while3A_196 = %mul3A_128 to %while3A_135 step %while3A_136  : i32 {
        %mul3A_197 = arith.constant 16 : i32
        %mul3A_198 = arith.muli %while3A_196, %mul3A_197 : i32
        %add3A_199 = arith.constant 8192 : i32
        %add3A_200 = arith.addi %add3A_199, %mul3A_198 : i32
        %get3A_201 = arith.index_cast %add3A_200 : i32 to index
        %get3A_202 = tpu.vector_load %arg7[%get3A_201] {strides = array<i32>} : memref<16384xi32, #tpu.memory_space<vmem>>, vector<16xi32>,
        %shift_right_arithmetic3A_203 = arith.constant 13 : i32
        %shift_right_arithmetic3A_204 = vector.broadcast %shift_right_arithmetic3A_203 : i32 to vector<16xi32>
        %shift_right_arithmetic3A_205 = arith.shrsi %get3A_202, %shift_right_arithmetic3A_204 : vector<16xi32>
        %gather3A = tpu.vector_load_idx %arg5[%shift_right_arithmetic3A_205] : memref<50048xf32, #tpu.memory_space<vmem>>[vector<16xi32>], vector<16xf32>,
        %and3A_206 = arith.constant 8191 : i32
        %and3A_207 = vector.broadcast %and3A_206 : i32 to vector<16xi32>
        %and3A_208 = arith.andi %get3A_202, %and3A_207 : vector<16xi32>
        tpu.vector_store_idx %arg8[%and3A_208], %gather3A : memref<8192xf32, #tpu.memory_space<vmem>>[vector<16xi32>], vector<16xf32>,
      }
      %while3A_137 = arith.constant 1 : i32
      scf.for %while3A_196 = %while3A_135 to %while3A_131 step %while3A_137  : i32 {
        %mul3A_197 = arith.constant 16 : i32
        %mul3A_198 = arith.muli %while3A_196, %mul3A_197 : i32
        %add3A_199 = arith.constant 8192 : i32
        %add3A_200 = arith.addi %add3A_199, %mul3A_198 : i32
        %get3A_201 = arith.index_cast %add3A_200 : i32 to index
        %get3A_202 = tpu.vector_load %arg7[%get3A_201] {strides = array<i32>} : memref<16384xi32, #tpu.memory_space<vmem>>, vector<16xi32>,
        %shift_right_arithmetic3A_203 = arith.constant 13 : i32
        %shift_right_arithmetic3A_204 = vector.broadcast %shift_right_arithmetic3A_203 : i32 to vector<16xi32>
        %shift_right_arithmetic3A_205 = arith.shrsi %get3A_202, %shift_right_arithmetic3A_204 : vector<16xi32>
        %gather3A = tpu.vector_load_idx %arg5[%shift_right_arithmetic3A_205] : memref<50048xf32, #tpu.memory_space<vmem>>[vector<16xi32>], vector<16xf32>,
        %and3A_206 = arith.constant 8191 : i32
        %and3A_207 = vector.broadcast %and3A_206 : i32 to vector<16xi32>
        %and3A_208 = arith.andi %get3A_202, %and3A_207 : vector<16xi32>
        tpu.vector_store_idx %arg8[%and3A_208], %gather3A : memref<8192xf32, #tpu.memory_space<vmem>>[vector<16xi32>], vector<16xf32>,
      }
      %and3A_138 = arith.constant -16 : i32
      %and3A_139 = arith.andi %get3A_112, %and3A_138 : i32
      %add3A_140 = arith.constant 8192 : i32
      %add3A_141 = arith.addi %add3A_140, %and3A_139 : i32
      %and3A_142 = arith.constant 15 : i32
      %and3A_143 = arith.andi %get3A_112, %and3A_142 : i32
      %gt3A_144 = arith.constant 0 : i32
      %gt3A_145 = arith.cmpi sgt, %and3A_143, %gt3A_144 : i32
      %convert_element_type3A_146 = arith.extui %gt3A_145 : i1 to i32
      %cond3A_147 = arith.constant 0 : i32
      %cond3A_148 = arith.cmpi ne, %convert_element_type3A_146, %cond3A_147 : i32
      scf.if %cond3A_148 {
        %get3A_196 = arith.index_cast %add3A_141 : i32 to index
        %get3A_197 = tpu.vector_load %arg7[%get3A_196] {strides = array<i32>} : memref<16384xi32, #tpu.memory_space<vmem>>, vector<16xi32>,
        %add3A_198 = vector.broadcast %add3A_141 : i32 to vector<16xi32>
        %add3A_199 = arith.addi %add3A_198, %iota3A : vector<16xi32>
        %add3A_200 = arith.constant 8192 : i32
        %add3A_201 = arith.addi %add3A_200, %get3A_112 : i32
        %lt3A_202 = vector.broadcast %add3A_201 : i32 to vector<16xi32>
        %lt3A_203 = arith.cmpi slt, %add3A_199, %lt3A_202 : vector<16xi32>
        %shift_right_arithmetic3A_204 = arith.constant 13 : i32
        %shift_right_arithmetic3A_205 = vector.broadcast %shift_right_arithmetic3A_204 : i32 to vector<16xi32>
        %shift_right_arithmetic3A_206 = arith.shrsi %get3A_197, %shift_right_arithmetic3A_205 : vector<16xi32>
        %gather3A = tpu.vector_load_idx %arg5[%shift_right_arithmetic3A_206] masked %lt3A_203 : memref<50048xf32, #tpu.memory_space<vmem>>[vector<16xi32>], vector<16xf32>, vector<16xi1>
        %and3A_207 = arith.constant 8191 : i32
        %and3A_208 = vector.broadcast %and3A_207 : i32 to vector<16xi32>
        %and3A_209 = arith.andi %get3A_197, %and3A_208 : vector<16xi32>
        tpu.vector_store_idx %arg8[%and3A_209], %gather3A masked %lt3A_203 : memref<8192xf32, #tpu.memory_space<vmem>>[vector<16xi32>], vector<16xf32>, vector<16xi1>
      } else {
      }
      %add3A_149 = arith.constant 1 : i32
      %add3A_150 = arith.addi %scan3A_22, %add3A_149 : i32
      %lt3A = arith.constant 52 : i32
      %lt3A_151 = arith.cmpi slt, %add3A_150, %lt3A : i32
      %convert_element_type3A_152 = arith.extui %lt3A_151 : i1 to i32
      %cond3A_153 = arith.constant 0 : i32
      %cond3A_154 = arith.cmpi ne, %convert_element_type3A_152, %cond3A_153 : i32
      scf.if %cond3A_154 {
        %add3A_196 = arith.constant 1 : i32
        %add3A_197 = arith.addi %add3A_24, %add3A_196 : i32
        %shift_right_arithmetic3A_198 = arith.constant 6 : i32
        %shift_right_arithmetic3A_199 = arith.shrsi %add3A_197, %shift_right_arithmetic3A_198 : i32
        %and3A_200 = arith.constant 63 : i32
        %and3A_201 = arith.andi %add3A_197, %and3A_200 : i32
        %dma_start3A_202 = arith.constant 0 : i32
        %dma_start3A_203 = tpu.memref_slice %arg3[%shift_right_arithmetic3A_199, %and3A_201, %dma_start3A_202] : memref<26x64x100000xf32, #tpu.memory_space<hbm>> -> memref<1x1x50048xf32, #tpu.memory_space<hbm>>
        %dma_start3A_204 = tpu.memref_squeeze %dma_start3A_203 : memref<1x1x50048xf32, #tpu.memory_space<hbm>> -> memref<50048xf32, #tpu.memory_space<hbm>>
        %dma_start3A_205 = arith.constant 0 : i32
        %dma_start3A_206 = tpu.memref_slice %arg3[%shift_right_arithmetic3A_199, %and3A_201, %dma_start3A_205] : memref<26x64x100000xf32, #tpu.memory_space<hbm>> -> memref<1x1x50048xf32, #tpu.memory_space<hbm>>
        %dma_start3A_207 = tpu.memref_squeeze %dma_start3A_206 : memref<1x1x50048xf32, #tpu.memory_space<hbm>> -> memref<50048xf32, #tpu.memory_space<hbm>>
        tpu.enqueue_dma source(%dma_start3A_207 : memref<50048xf32, #tpu.memory_space<hbm>>) target(%arg5 : memref<50048xf32, #tpu.memory_space<vmem>>) target_semaphore(%arg11 : memref<!tpu.dma_semaphore, #tpu.memory_space<semaphore_mem>>)
      } else {
      }
      %convert_element_type3A_155 = arith.extui %gt3A_145 : i1 to i32
      %cond3A_156 = arith.constant 0 : i32
      %cond3A_157 = arith.cmpi ne, %convert_element_type3A_155, %cond3A_156 : i32
      scf.if %cond3A_157 {
        %get3A_196 = arith.index_cast %add3A_141 : i32 to index
        %get3A_197 = tpu.vector_load %arg7[%get3A_196] {strides = array<i32>} : memref<16384xi32, #tpu.memory_space<vmem>>, vector<16xi32>,
        %add3A_198 = vector.broadcast %add3A_141 : i32 to vector<16xi32>
        %add3A_199 = arith.addi %add3A_198, %iota3A : vector<16xi32>
        %add3A_200 = arith.constant 8192 : i32
        %add3A_201 = arith.addi %add3A_200, %get3A_112 : i32
        %ge3A = vector.broadcast %add3A_201 : i32 to vector<16xi32>
        %ge3A_202 = arith.cmpi sge, %add3A_199, %ge3A : vector<16xi32>
        %shift_right_arithmetic3A_203 = arith.constant 13 : i32
        %shift_right_arithmetic3A_204 = vector.broadcast %shift_right_arithmetic3A_203 : i32 to vector<16xi32>
        %shift_right_arithmetic3A_205 = arith.shrsi %get3A_197, %shift_right_arithmetic3A_204 : vector<16xi32>
        %gather3A = tpu.vector_load_idx %arg6[%shift_right_arithmetic3A_205] masked %ge3A_202 : memref<49952xf32, #tpu.memory_space<vmem>>[vector<16xi32>], vector<16xf32>, vector<16xi1>
        %and3A_206 = arith.constant 8191 : i32
        %and3A_207 = vector.broadcast %and3A_206 : i32 to vector<16xi32>
        %and3A_208 = arith.andi %get3A_197, %and3A_207 : vector<16xi32>
        tpu.vector_store_idx %arg8[%and3A_208], %gather3A masked %ge3A_202 : memref<8192xf32, #tpu.memory_space<vmem>>[vector<16xi32>], vector<16xf32>, vector<16xi1>
      } else {
      }
      %add3A_158 = arith.constant 16 : i32
      %add3A_159 = arith.addi %get3A_112, %add3A_158 : i32
      %sub3A_160 = arith.constant 1 : i32
      %sub3A_161 = arith.subi %add3A_159, %sub3A_160 : i32
      %shift_right_arithmetic3A_162 = arith.constant 4 : i32
      %shift_right_arithmetic3A_163 = arith.shrsi %sub3A_161, %shift_right_arithmetic3A_162 : i32
      %sub3A_164 = arith.constant 512 : i32
      %sub3A_165 = arith.subi %sub3A_164, %shift_right_arithmetic3A_163 : i32
      %shift_right_arithmetic3A_166 = arith.constant 2 : i32
      %shift_right_arithmetic3A_167 = arith.shrsi %sub3A_165, %shift_right_arithmetic3A_166 : i32
      %while3A_168 = arith.constant 0 : i32
      %while3A_169 = arith.constant 0 : i32
      %while3A_170 = arith.subi %shift_right_arithmetic3A_167, %while3A_169 : i32
      %while3A_171 = arith.addi %while3A_169, %while3A_170 : i32
      %while3A_172 = arith.constant 1 : i32
      %while3A_173 = arith.divsi %while3A_170, %while3A_172 : i32
      %while3A_174 = arith.muli %while3A_173, %while3A_172 : i32
      %while3A_175 = arith.addi %while3A_169, %while3A_174 : i32
      %while3A_176 = arith.constant 1 : i32
      scf.for %while3A_196 = %while3A_169 to %while3A_175 step %while3A_176  : i32 {
        %mul3A_197 = arith.constant 4 : i32
        %mul3A_198 = arith.muli %while3A_196, %mul3A_197 : i32
        %add3A_199 = arith.addi %shift_right_arithmetic3A_163, %mul3A_198 : i32
        %add3A_200 = arith.constant 0 : i32
        %add3A_201 = arith.addi %add3A_199, %add3A_200 : i32
        %mul3A_202 = arith.constant 16 : i32
        %mul3A_203 = arith.muli %add3A_201, %mul3A_202 : i32
        %add3A_204 = arith.constant 8192 : i32
        %add3A_205 = arith.addi %add3A_204, %mul3A_203 : i32
        %get3A_206 = arith.index_cast %add3A_205 : i32 to index
        %get3A_207 = tpu.vector_load %arg7[%get3A_206] {strides = array<i32>} : memref<16384xi32, #tpu.memory_space<vmem>>, vector<16xi32>,
        %shift_right_arithmetic3A_208 = arith.constant 13 : i32
        %shift_right_arithmetic3A_209 = vector.broadcast %shift_right_arithmetic3A_208 : i32 to vector<16xi32>
        %shift_right_arithmetic3A_210 = arith.shrsi %get3A_207, %shift_right_arithmetic3A_209 : vector<16xi32>
        %gather3A = tpu.vector_load_idx %arg6[%shift_right_arithmetic3A_210] : memref<49952xf32, #tpu.memory_space<vmem>>[vector<16xi32>], vector<16xf32>,
        %and3A_211 = arith.constant 8191 : i32
        %and3A_212 = vector.broadcast %and3A_211 : i32 to vector<16xi32>
        %and3A_213 = arith.andi %get3A_207, %and3A_212 : vector<16xi32>
        tpu.vector_store_idx %arg8[%and3A_213], %gather3A : memref<8192xf32, #tpu.memory_space<vmem>>[vector<16xi32>], vector<16xf32>,
        %mul3A_214 = arith.constant 4 : i32
        %mul3A_215 = arith.muli %while3A_196, %mul3A_214 : i32
        %add3A_216 = arith.addi %shift_right_arithmetic3A_163, %mul3A_215 : i32
        %add3A_217 = arith.constant 1 : i32
        %add3A_218 = arith.addi %add3A_216, %add3A_217 : i32
        %mul3A_219 = arith.constant 16 : i32
        %mul3A_220 = arith.muli %add3A_218, %mul3A_219 : i32
        %add3A_221 = arith.constant 8192 : i32
        %add3A_222 = arith.addi %add3A_221, %mul3A_220 : i32
        %get3A_223 = arith.index_cast %add3A_222 : i32 to index
        %get3A_224 = tpu.vector_load %arg7[%get3A_223] {strides = array<i32>} : memref<16384xi32, #tpu.memory_space<vmem>>, vector<16xi32>,
        %shift_right_arithmetic3A_225 = arith.constant 13 : i32
        %shift_right_arithmetic3A_226 = vector.broadcast %shift_right_arithmetic3A_225 : i32 to vector<16xi32>
        %shift_right_arithmetic3A_227 = arith.shrsi %get3A_224, %shift_right_arithmetic3A_226 : vector<16xi32>
        %gather3A_228 = tpu.vector_load_idx %arg6[%shift_right_arithmetic3A_227] : memref<49952xf32, #tpu.memory_space<vmem>>[vector<16xi32>], vector<16xf32>,
        %and3A_229 = arith.constant 8191 : i32
        %and3A_230 = vector.broadcast %and3A_229 : i32 to vector<16xi32>
        %and3A_231 = arith.andi %get3A_224, %and3A_230 : vector<16xi32>
        tpu.vector_store_idx %arg8[%and3A_231], %gather3A_228 : memref<8192xf32, #tpu.memory_space<vmem>>[vector<16xi32>], vector<16xf32>,
        %mul3A_232 = arith.constant 4 : i32
        %mul3A_233 = arith.muli %while3A_196, %mul3A_232 : i32
        %add3A_234 = arith.addi %shift_right_arithmetic3A_163, %mul3A_233 : i32
        %add3A_235 = arith.constant 2 : i32
        %add3A_236 = arith.addi %add3A_234, %add3A_235 : i32
        %mul3A_237 = arith.constant 16 : i32
        %mul3A_238 = arith.muli %add3A_236, %mul3A_237 : i32
        %add3A_239 = arith.constant 8192 : i32
        %add3A_240 = arith.addi %add3A_239, %mul3A_238 : i32
        %get3A_241 = arith.index_cast %add3A_240 : i32 to index
        %get3A_242 = tpu.vector_load %arg7[%get3A_241] {strides = array<i32>} : memref<16384xi32, #tpu.memory_space<vmem>>, vector<16xi32>,
        %shift_right_arithmetic3A_243 = arith.constant 13 : i32
        %shift_right_arithmetic3A_244 = vector.broadcast %shift_right_arithmetic3A_243 : i32 to vector<16xi32>
        %shift_right_arithmetic3A_245 = arith.shrsi %get3A_242, %shift_right_arithmetic3A_244 : vector<16xi32>
        %gather3A_246 = tpu.vector_load_idx %arg6[%shift_right_arithmetic3A_245] : memref<49952xf32, #tpu.memory_space<vmem>>[vector<16xi32>], vector<16xf32>,
        %and3A_247 = arith.constant 8191 : i32
        %and3A_248 = vector.broadcast %and3A_247 : i32 to vector<16xi32>
        %and3A_249 = arith.andi %get3A_242, %and3A_248 : vector<16xi32>
        tpu.vector_store_idx %arg8[%and3A_249], %gather3A_246 : memref<8192xf32, #tpu.memory_space<vmem>>[vector<16xi32>], vector<16xf32>,
        %mul3A_250 = arith.constant 4 : i32
        %mul3A_251 = arith.muli %while3A_196, %mul3A_250 : i32
        %add3A_252 = arith.addi %shift_right_arithmetic3A_163, %mul3A_251 : i32
        %add3A_253 = arith.constant 3 : i32
        %add3A_254 = arith.addi %add3A_252, %add3A_253 : i32
        %mul3A_255 = arith.constant 16 : i32
        %mul3A_256 = arith.muli %add3A_254, %mul3A_255 : i32
        %add3A_257 = arith.constant 8192 : i32
        %add3A_258 = arith.addi %add3A_257, %mul3A_256 : i32
        %get3A_259 = arith.index_cast %add3A_258 : i32 to index
        %get3A_260 = tpu.vector_load %arg7[%get3A_259] {strides = array<i32>} : memref<16384xi32, #tpu.memory_space<vmem>>, vector<16xi32>,
        %shift_right_arithmetic3A_261 = arith.constant 13 : i32
        %shift_right_arithmetic3A_262 = vector.broadcast %shift_right_arithmetic3A_261 : i32 to vector<16xi32>
        %shift_right_arithmetic3A_263 = arith.shrsi %get3A_260, %shift_right_arithmetic3A_262 : vector<16xi32>
        %gather3A_264 = tpu.vector_load_idx %arg6[%shift_right_arithmetic3A_263] : memref<49952xf32, #tpu.memory_space<vmem>>[vector<16xi32>], vector<16xf32>,
        %and3A_265 = arith.constant 8191 : i32
        %and3A_266 = vector.broadcast %and3A_265 : i32 to vector<16xi32>
        %and3A_267 = arith.andi %get3A_260, %and3A_266 : vector<16xi32>
        tpu.vector_store_idx %arg8[%and3A_267], %gather3A_264 : memref<8192xf32, #tpu.memory_space<vmem>>[vector<16xi32>], vector<16xf32>,
      }
      %while3A_177 = arith.constant 1 : i32
      scf.for %while3A_196 = %while3A_175 to %while3A_171 step %while3A_177  : i32 {
        %mul3A_197 = arith.constant 4 : i32
        %mul3A_198 = arith.muli %while3A_196, %mul3A_197 : i32
        %add3A_199 = arith.addi %shift_right_arithmetic3A_163, %mul3A_198 : i32
        %add3A_200 = arith.constant 0 : i32
        %add3A_201 = arith.addi %add3A_199, %add3A_200 : i32
        %mul3A_202 = arith.constant 16 : i32
        %mul3A_203 = arith.muli %add3A_201, %mul3A_202 : i32
        %add3A_204 = arith.constant 8192 : i32
        %add3A_205 = arith.addi %add3A_204, %mul3A_203 : i32
        %get3A_206 = arith.index_cast %add3A_205 : i32 to index
        %get3A_207 = tpu.vector_load %arg7[%get3A_206] {strides = array<i32>} : memref<16384xi32, #tpu.memory_space<vmem>>, vector<16xi32>,
        %shift_right_arithmetic3A_208 = arith.constant 13 : i32
        %shift_right_arithmetic3A_209 = vector.broadcast %shift_right_arithmetic3A_208 : i32 to vector<16xi32>
        %shift_right_arithmetic3A_210 = arith.shrsi %get3A_207, %shift_right_arithmetic3A_209 : vector<16xi32>
        %gather3A = tpu.vector_load_idx %arg6[%shift_right_arithmetic3A_210] : memref<49952xf32, #tpu.memory_space<vmem>>[vector<16xi32>], vector<16xf32>,
        %and3A_211 = arith.constant 8191 : i32
        %and3A_212 = vector.broadcast %and3A_211 : i32 to vector<16xi32>
        %and3A_213 = arith.andi %get3A_207, %and3A_212 : vector<16xi32>
        tpu.vector_store_idx %arg8[%and3A_213], %gather3A : memref<8192xf32, #tpu.memory_space<vmem>>[vector<16xi32>], vector<16xf32>,
        %mul3A_214 = arith.constant 4 : i32
        %mul3A_215 = arith.muli %while3A_196, %mul3A_214 : i32
        %add3A_216 = arith.addi %shift_right_arithmetic3A_163, %mul3A_215 : i32
        %add3A_217 = arith.constant 1 : i32
        %add3A_218 = arith.addi %add3A_216, %add3A_217 : i32
        %mul3A_219 = arith.constant 16 : i32
        %mul3A_220 = arith.muli %add3A_218, %mul3A_219 : i32
        %add3A_221 = arith.constant 8192 : i32
        %add3A_222 = arith.addi %add3A_221, %mul3A_220 : i32
        %get3A_223 = arith.index_cast %add3A_222 : i32 to index
        %get3A_224 = tpu.vector_load %arg7[%get3A_223] {strides = array<i32>} : memref<16384xi32, #tpu.memory_space<vmem>>, vector<16xi32>,
        %shift_right_arithmetic3A_225 = arith.constant 13 : i32
        %shift_right_arithmetic3A_226 = vector.broadcast %shift_right_arithmetic3A_225 : i32 to vector<16xi32>
        %shift_right_arithmetic3A_227 = arith.shrsi %get3A_224, %shift_right_arithmetic3A_226 : vector<16xi32>
        %gather3A_228 = tpu.vector_load_idx %arg6[%shift_right_arithmetic3A_227] : memref<49952xf32, #tpu.memory_space<vmem>>[vector<16xi32>], vector<16xf32>,
        %and3A_229 = arith.constant 8191 : i32
        %and3A_230 = vector.broadcast %and3A_229 : i32 to vector<16xi32>
        %and3A_231 = arith.andi %get3A_224, %and3A_230 : vector<16xi32>
        tpu.vector_store_idx %arg8[%and3A_231], %gather3A_228 : memref<8192xf32, #tpu.memory_space<vmem>>[vector<16xi32>], vector<16xf32>,
        %mul3A_232 = arith.constant 4 : i32
        %mul3A_233 = arith.muli %while3A_196, %mul3A_232 : i32
        %add3A_234 = arith.addi %shift_right_arithmetic3A_163, %mul3A_233 : i32
        %add3A_235 = arith.constant 2 : i32
        %add3A_236 = arith.addi %add3A_234, %add3A_235 : i32
        %mul3A_237 = arith.constant 16 : i32
        %mul3A_238 = arith.muli %add3A_236, %mul3A_237 : i32
        %add3A_239 = arith.constant 8192 : i32
        %add3A_240 = arith.addi %add3A_239, %mul3A_238 : i32
        %get3A_241 = arith.index_cast %add3A_240 : i32 to index
        %get3A_242 = tpu.vector_load %arg7[%get3A_241] {strides = array<i32>} : memref<16384xi32, #tpu.memory_space<vmem>>, vector<16xi32>,
        %shift_right_arithmetic3A_243 = arith.constant 13 : i32
        %shift_right_arithmetic3A_244 = vector.broadcast %shift_right_arithmetic3A_243 : i32 to vector<16xi32>
        %shift_right_arithmetic3A_245 = arith.shrsi %get3A_242, %shift_right_arithmetic3A_244 : vector<16xi32>
        %gather3A_246 = tpu.vector_load_idx %arg6[%shift_right_arithmetic3A_245] : memref<49952xf32, #tpu.memory_space<vmem>>[vector<16xi32>], vector<16xf32>,
        %and3A_247 = arith.constant 8191 : i32
        %and3A_248 = vector.broadcast %and3A_247 : i32 to vector<16xi32>
        %and3A_249 = arith.andi %get3A_242, %and3A_248 : vector<16xi32>
        tpu.vector_store_idx %arg8[%and3A_249], %gather3A_246 : memref<8192xf32, #tpu.memory_space<vmem>>[vector<16xi32>], vector<16xf32>,
        %mul3A_250 = arith.constant 4 : i32
        %mul3A_251 = arith.muli %while3A_196, %mul3A_250 : i32
        %add3A_252 = arith.addi %shift_right_arithmetic3A_163, %mul3A_251 : i32
        %add3A_253 = arith.constant 3 : i32
        %add3A_254 = arith.addi %add3A_252, %add3A_253 : i32
        %mul3A_255 = arith.constant 16 : i32
        %mul3A_256 = arith.muli %add3A_254, %mul3A_255 : i32
        %add3A_257 = arith.constant 8192 : i32
        %add3A_258 = arith.addi %add3A_257, %mul3A_256 : i32
        %get3A_259 = arith.index_cast %add3A_258 : i32 to index
        %get3A_260 = tpu.vector_load %arg7[%get3A_259] {strides = array<i32>} : memref<16384xi32, #tpu.memory_space<vmem>>, vector<16xi32>,
        %shift_right_arithmetic3A_261 = arith.constant 13 : i32
        %shift_right_arithmetic3A_262 = vector.broadcast %shift_right_arithmetic3A_261 : i32 to vector<16xi32>
        %shift_right_arithmetic3A_263 = arith.shrsi %get3A_260, %shift_right_arithmetic3A_262 : vector<16xi32>
        %gather3A_264 = tpu.vector_load_idx %arg6[%shift_right_arithmetic3A_263] : memref<49952xf32, #tpu.memory_space<vmem>>[vector<16xi32>], vector<16xf32>,
        %and3A_265 = arith.constant 8191 : i32
        %and3A_266 = vector.broadcast %and3A_265 : i32 to vector<16xi32>
        %and3A_267 = arith.andi %get3A_260, %and3A_266 : vector<16xi32>
        tpu.vector_store_idx %arg8[%and3A_267], %gather3A_264 : memref<8192xf32, #tpu.memory_space<vmem>>[vector<16xi32>], vector<16xf32>,
      }
      %mul3A_178 = arith.constant 4 : i32
      %mul3A_179 = arith.muli %shift_right_arithmetic3A_167, %mul3A_178 : i32
      %while3A_180 = arith.constant 0 : i32
      %while3A_181 = arith.subi %sub3A_165, %mul3A_179 : i32
      %while3A_182 = arith.addi %mul3A_179, %while3A_181 : i32
      %while3A_183 = arith.constant 1 : i32
      %while3A_184 = arith.divsi %while3A_181, %while3A_183 : i32
      %while3A_185 = arith.muli %while3A_184, %while3A_183 : i32
      %while3A_186 = arith.addi %mul3A_179, %while3A_185 : i32
      %while3A_187 = arith.constant 1 : i32
      scf.for %while3A_196 = %mul3A_179 to %while3A_186 step %while3A_187  : i32 {
        %add3A_197 = arith.addi %shift_right_arithmetic3A_163, %while3A_196 : i32
        %mul3A_198 = arith.constant 16 : i32
        %mul3A_199 = arith.muli %add3A_197, %mul3A_198 : i32
        %add3A_200 = arith.constant 8192 : i32
        %add3A_201 = arith.addi %add3A_200, %mul3A_199 : i32
        %get3A_202 = arith.index_cast %add3A_201 : i32 to index
        %get3A_203 = tpu.vector_load %arg7[%get3A_202] {strides = array<i32>} : memref<16384xi32, #tpu.memory_space<vmem>>, vector<16xi32>,
        %shift_right_arithmetic3A_204 = arith.constant 13 : i32
        %shift_right_arithmetic3A_205 = vector.broadcast %shift_right_arithmetic3A_204 : i32 to vector<16xi32>
        %shift_right_arithmetic3A_206 = arith.shrsi %get3A_203, %shift_right_arithmetic3A_205 : vector<16xi32>
        %gather3A = tpu.vector_load_idx %arg6[%shift_right_arithmetic3A_206] : memref<49952xf32, #tpu.memory_space<vmem>>[vector<16xi32>], vector<16xf32>,
        %and3A_207 = arith.constant 8191 : i32
        %and3A_208 = vector.broadcast %and3A_207 : i32 to vector<16xi32>
        %and3A_209 = arith.andi %get3A_203, %and3A_208 : vector<16xi32>
        tpu.vector_store_idx %arg8[%and3A_209], %gather3A : memref<8192xf32, #tpu.memory_space<vmem>>[vector<16xi32>], vector<16xf32>,
      }
      %while3A_188 = arith.constant 1 : i32
      scf.for %while3A_196 = %while3A_186 to %while3A_182 step %while3A_188  : i32 {
        %add3A_197 = arith.addi %shift_right_arithmetic3A_163, %while3A_196 : i32
        %mul3A_198 = arith.constant 16 : i32
        %mul3A_199 = arith.muli %add3A_197, %mul3A_198 : i32
        %add3A_200 = arith.constant 8192 : i32
        %add3A_201 = arith.addi %add3A_200, %mul3A_199 : i32
        %get3A_202 = arith.index_cast %add3A_201 : i32 to index
        %get3A_203 = tpu.vector_load %arg7[%get3A_202] {strides = array<i32>} : memref<16384xi32, #tpu.memory_space<vmem>>, vector<16xi32>,
        %shift_right_arithmetic3A_204 = arith.constant 13 : i32
        %shift_right_arithmetic3A_205 = vector.broadcast %shift_right_arithmetic3A_204 : i32 to vector<16xi32>
        %shift_right_arithmetic3A_206 = arith.shrsi %get3A_203, %shift_right_arithmetic3A_205 : vector<16xi32>
        %gather3A = tpu.vector_load_idx %arg6[%shift_right_arithmetic3A_206] : memref<49952xf32, #tpu.memory_space<vmem>>[vector<16xi32>], vector<16xf32>,
        %and3A_207 = arith.constant 8191 : i32
        %and3A_208 = vector.broadcast %and3A_207 : i32 to vector<16xi32>
        %and3A_209 = arith.andi %get3A_203, %and3A_208 : vector<16xi32>
        tpu.vector_store_idx %arg8[%and3A_209], %gather3A : memref<8192xf32, #tpu.memory_space<vmem>>[vector<16xi32>], vector<16xf32>,
      }
      %add3A_189 = arith.constant 1 : i32
      %add3A_190 = arith.addi %scan3A_22, %add3A_189 : i32
      %lt3A_191 = arith.constant 52 : i32
      %lt3A_192 = arith.cmpi slt, %add3A_190, %lt3A_191 : i32
      %convert_element_type3A_193 = arith.extui %lt3A_192 : i1 to i32
      %cond3A_194 = arith.constant 0 : i32
      %cond3A_195 = arith.cmpi ne, %convert_element_type3A_193, %cond3A_194 : i32
      scf.if %cond3A_195 {
        %add3A_196 = arith.constant 1 : i32
        %add3A_197 = arith.addi %add3A_24, %add3A_196 : i32
        %shift_right_arithmetic3A_198 = arith.constant 6 : i32
        %shift_right_arithmetic3A_199 = arith.shrsi %add3A_197, %shift_right_arithmetic3A_198 : i32
        %and3A_200 = arith.constant 63 : i32
        %and3A_201 = arith.andi %add3A_197, %and3A_200 : i32
        %dma_start3A_202 = arith.constant 50048 : i32
        %dma_start3A_203 = tpu.memref_slice %arg3[%shift_right_arithmetic3A_199, %and3A_201, %dma_start3A_202] : memref<26x64x100000xf32, #tpu.memory_space<hbm>> -> memref<1x1x49952xf32, #tpu.memory_space<hbm>>
        %dma_start3A_204 = tpu.memref_squeeze %dma_start3A_203 : memref<1x1x49952xf32, #tpu.memory_space<hbm>> -> memref<49952xf32, #tpu.memory_space<hbm>>
        %dma_start3A_205 = arith.constant 50048 : i32
        %dma_start3A_206 = tpu.memref_slice %arg3[%shift_right_arithmetic3A_199, %and3A_201, %dma_start3A_205] : memref<26x64x100000xf32, #tpu.memory_space<hbm>> -> memref<1x1x49952xf32, #tpu.memory_space<hbm>>
        %dma_start3A_207 = tpu.memref_squeeze %dma_start3A_206 : memref<1x1x49952xf32, #tpu.memory_space<hbm>> -> memref<49952xf32, #tpu.memory_space<hbm>>
        tpu.enqueue_dma source(%dma_start3A_207 : memref<49952xf32, #tpu.memory_space<hbm>>) target(%arg6 : memref<49952xf32, #tpu.memory_space<vmem>>) target_semaphore(%arg12 : memref<!tpu.dma_semaphore, #tpu.memory_space<semaphore_mem>>)
      } else {
      }
      "tpu.region"() ({
        %run_scoped3A = tpu.sem_alloc : memref<!tpu.dma_semaphore, #tpu.memory_space<semaphore_mem>>
        %dma_start3A_196 = arith.constant 8192 : i32
        %dma_start3A_197 = tpu.memref_slice %arg4[%shift_right_arithmetic3A_26, %and3A_28, %dma_start3A_196] : memref<26x64x16384xf32, #tpu.memory_space<hbm>> -> memref<1x1x8192xf32, #tpu.memory_space<hbm>>
        %dma_start3A_198 = tpu.memref_squeeze %dma_start3A_197 : memref<1x1x8192xf32, #tpu.memory_space<hbm>> -> memref<8192xf32, #tpu.memory_space<hbm>>
        %dma_start3A_199 = arith.constant 8192 : i32
        %dma_start3A_200 = tpu.memref_slice %arg4[%shift_right_arithmetic3A_26, %and3A_28, %dma_start3A_199] : memref<26x64x16384xf32, #tpu.memory_space<hbm>> -> memref<1x1x8192xf32, #tpu.memory_space<hbm>>
        %dma_start3A_201 = tpu.memref_squeeze %dma_start3A_200 : memref<1x1x8192xf32, #tpu.memory_space<hbm>> -> memref<8192xf32, #tpu.memory_space<hbm>>
        tpu.enqueue_dma source(%arg8 : memref<8192xf32, #tpu.memory_space<vmem>>) target(%dma_start3A_201 : memref<8192xf32, #tpu.memory_space<hbm>>) target_semaphore(%run_scoped3A : memref<!tpu.dma_semaphore, #tpu.memory_space<semaphore_mem>>)
        %dma_wait3A_202 = arith.constant 8192 : i32
        %dma_wait3A_203 = tpu.memref_slice %arg4[%shift_right_arithmetic3A_26, %and3A_28, %dma_wait3A_202] : memref<26x64x16384xf32, #tpu.memory_space<hbm>> -> memref<1x1x8192xf32, #tpu.memory_space<hbm>>
        %dma_wait3A_204 = tpu.memref_squeeze %dma_wait3A_203 : memref<1x1x8192xf32, #tpu.memory_space<hbm>> -> memref<8192xf32, #tpu.memory_space<hbm>>
        %dma_wait3A_205 = arith.constant 8192 : i32
        %dma_wait3A_206 = tpu.memref_slice %arg4[%shift_right_arithmetic3A_26, %and3A_28, %dma_wait3A_205] : memref<26x64x16384xf32, #tpu.memory_space<hbm>> -> memref<1x1x8192xf32, #tpu.memory_space<hbm>>
        %dma_wait3A_207 = tpu.memref_squeeze %dma_wait3A_206 : memref<1x1x8192xf32, #tpu.memory_space<hbm>> -> memref<8192xf32, #tpu.memory_space<hbm>>
        tpu.wait_dma2 semaphore(%run_scoped3A : memref<!tpu.dma_semaphore, #tpu.memory_space<semaphore_mem>>) src(%arg8 : memref<8192xf32, #tpu.memory_space<vmem>>) dst(%dma_wait3A_207 : memref<8192xf32, #tpu.memory_space<hbm>>)
        tpu.yield
      }) : () -> ()
      scf.yield %shift_right_arithmetic3A_26 : i32
    }
    %scan3A_21 = arith.constant 52 : i32
    return
  }
}

</mosaic_0001>

<sc_bundles>
// kernel: _lookup.3.cloned.1.call-start
scs
__scs_entry_jumppad:
0x0: {  	(pc) =	sbr.rel $0x88, $3  }
0x1: {  	(tag) =	ssettag $0x0;
	lr =	simm.s32 $0x1  }
0x2: {  	[smem:$0x3F9F] =	sst lr;
	_ =	strace $0xD0000000  }
0x3: {  	_ = 	snop  }
0x4: {  	_ = 	snop  }
0x5: {  	_ = 	snop  }
0x6: {  	_ = 	snop  }
0x7: {  	_ = 	snop  }
__scs_overlays_trampoline_lowered:
0x8: {  	[smem:$0x3FAE] =	sst s0  }
0x9: {  	[smem:$0x3FAF] =	sst s1  }
0xa: {  	[smem:$0x3FB0] =	sst s2  }
0xb: {  	[smem:$0x3FB1] =	sst s3  }
0xc: {  	[smem:$0x3FB2] =	sst s4  }
0xd: {  	[smem:$0x3FB3] =	sst s5  }
0xe: {  	[smem:$0x3FB4] =	sst s6  }
0xf: {  	[smem:$0x3FB5] =	sst s7  }
0x10: {  	[smem:$0x3FB6] =	sst s8  }
0x11: {  	[smem:$0x3FB7] =	sst s9;
	s0 =	simm.s32 @!p0 $0x0  }
0x12: {  	s1 =	sld [smem:$0x3F9D];
	s0 =	simm.s32 @p0 $0x1  }
0x13: {  	[smem:$0x3FB8] =	sst s0;
	s0 =	simm.s32 @!p1 $0x0  }
0x14: {  	s2 =	sld [smem:$0x3F9C];
	s0 =	simm.s32 @p1 $0x1  }
0x15: {  	[smem:$0x3FB9] =	sst s0;
	s0 =	simm.s32 @!p2 $0x0  }
0x16: {  	s3 =	sld [smem:$0x3FDB];
	s0 =	simm.s32 @p2 $0x1  }
0x17: {  	s4 =	simm.s32 $0x1BF5;
	[smem:$0x3FBB] =	sst s0  }
0x18: {  	s0 =	sld [smem:$0x3F9E];
	_ =	swait.ge [sflag:s4], $0x0  }
0x19: {  	s7 =	sld [smem:$0x3F9F]  }
0x1a: {  	s8 =	sadd.s32 $0xFFFFE003, lr  }
0x1b: {  	s9 =	sadd.s32 $0xFFFFFEF7, lr;
	s5 =	simm.s32 $0xFFFFFFFF;
	p2 =	slt.u32 s8, $0xFFFFF086  }
0x1c: {  	p1 =	slt.u32 s9, $0xF7A;
	s5 =	simm.s32 @!p2 $0x0  }
0x1d: {  	s5 =	simm.s32 @p1 $0x1;
	p0 =	seq.s32 s7, s2  }
0x1e: {  	s7 =	smul.u32 @!p0 $0xF7A, s2;
	p2 =	seq.s32 @!p0 s5, $0x0  }
0x1f: {  	s9 =	smul.u32 $0xF7A, s1;
	s8 =	simm.s32 @!p0 $0x1BF5;
	p2 =	por !p2, p0  }
0x20: {  	[sflag:s8] =	ssyncset.s32 @!p0 $0xFFFFF086;
	s6 =	sadd.s32 @!p0 s3, s7;
	s7 =	simm.s32 @!p0 $0x108  }
0x21: {  	s3 =	sadd.s32 s3, s9;
	s6 =	sadd.s32 @!p0 $0x88, s6;
	s7 =	simm.s32 @p2 $0x1082  }
0x22: {  	[simem:s7], [sflag:s8] =	dma.local @!p0 [hbm:s6], $0xF7A  }
0x23: {  	s9 =	sor.u32 $0xD0000000, s2;
	s6 =	simm.s32 $0x108;
	_ =	swait.ge @!p0 [sflag:s8], $0x0  }
0x24: {  	s3 =	sadd.s32 $0x88, s3;
	s6 =	simm.s32 @!p1 $0x1082;
	[sflag:s4] =	ssyncset.s32 $0xFFFFF086  }
0x25: {  	[simem:s6], [sflag:s4] =	dma.local [hbm:s3], $0xF7A  }
0x26: {  	[smem:$0x3F9F] =	sst s1;
	(tag) =	ssettag s2;
	_ =	strace s9  }
0x27: {  	s1 =	sld [smem:$0x3FAF]  }
0x28: {  	s2 =	sld [smem:$0x3FB0]  }
0x29: {  	s4 =	sld [smem:$0x3FB2]  }
0x2a: {  	p0 =	seq.s32 s5, $0x0;
	s5 =	sld [smem:$0x3FB3]  }
0x2b: {  	s6 =	sld [smem:$0x3FB4]  }
0x2c: {  	s7 =	sld [smem:$0x3FB5]  }
0x2d: {  	s3 =	simm.s32 $0x108;
	s8 =	sld [smem:$0x3FB6]  }
0x2e: {  	s3 =	simm.s32 @!p0 $0x1082;
	s9 =	sld [smem:$0x3FB7]  }
0x2f: {  	lr =	sadd.s32 s0, s3;
	s0 =	sld [smem:$0x3FAE]  }
0x30: {  	s3 =	sld [smem:$0x3FB1]  }
0x31: {  	[smem:$0x3FBA] =	sst s10  }
0x32: {  	s10 =	sld [smem:$0x3FB8];
	_ =	sdelay $0x3  }
0x33: {  	p0 =	seq.s32 s10, $0x1;
	s10 =	sld [smem:$0x3FBA];
	_ =	sdelay $0x3  }
0x34: {  	[smem:$0x3FBA] =	sst s10  }
0x35: {  	s10 =	sld [smem:$0x3FB9];
	_ =	sdelay $0x3  }
0x36: {  	p1 =	seq.s32 s10, $0x1;
	s10 =	sld [smem:$0x3FBA];
	_ =	sdelay $0x3  }
0x37: {  	[smem:$0x3FBA] =	sst s10  }
0x38: {  	s10 =	sld [smem:$0x3FBB]  }
0x39: {  	_ = 	snop;
	(pc) =	sbr.ind lr, $3  }
0x3a: {  	_ = 	snop  }
0x3b: {  	_ = 	snop  }
0x3c: {  	p2 =	seq.s32 s10, $0x1;
	s10 =	sld [smem:$0x3FBA]  }
0x3d: {  	_ =	shalt  }
0x3e: {  	_ =	shalt  }
0x3f: {  	_ =	shalt  }
0x40: {  	_ =	shalt  }
0x41: {  	_ =	shalt  }
0x42: {  	_ =	shalt  }
0x43: {  	_ =	shalt  }
0x44: {  	_ =	shalt  }
0x45: {  	_ =	shalt  }
0x46: {  	_ =	shalt  }
0x47: {  	_ =	shalt  }
0x48: {  	_ =	shalt  }
0x49: {  	_ =	shalt  }
0x4a: {  	_ =	shalt  }
0x4b: {  	_ =	shalt  }
0x4c: {  	_ =	shalt  }
0x4d: {  	_ =	shalt  }
0x4e: {  	_ =	shalt  }
0x4f: {  	_ =	shalt  }
0x50: {  	_ =	shalt  }
0x51: {  	_ =	shalt  }
0x52: {  	_ =	shalt  }
0x53: {  	_ =	shalt  }
0x54: {  	_ =	shalt  }
0x55: {  	_ =	shalt  }
0x56: {  	_ =	shalt  }
0x57: {  	_ =	shalt  }
0x58: {  	_ =	shalt  }
0x59: {  	_ =	shalt  }
0x5a: {  	_ =	shalt  }
0x5b: {  	_ =	shalt  }
0x5c: {  	_ =	shalt  }
0x5d: {  	_ =	shalt  }
0x5e: {  	_ =	shalt  }
0x5f: {  	_ =	shalt  }
0x60: {  	_ =	shalt  }
0x61: {  	_ =	shalt  }
0x62: {  	_ =	shalt  }
0x63: {  	_ =	shalt  }
0x64: {  	_ =	shalt  }
0x65: {  	_ =	shalt  }
0x66: {  	_ =	shalt  }
0x67: {  	_ =	shalt  }
0x68: {  	_ =	shalt  }
0x69: {  	_ =	shalt  }
0x6a: {  	_ =	shalt  }
0x6b: {  	_ =	shalt  }
0x6c: {  	_ =	shalt  }
0x6d: {  	_ =	shalt  }
0x6e: {  	_ =	shalt  }
0x6f: {  	_ =	shalt  }
0x70: {  	_ =	shalt  }
0x71: {  	_ =	shalt  }
0x72: {  	_ =	shalt  }
0x73: {  	_ =	shalt  }
0x74: {  	_ =	shalt  }
0x75: {  	_ =	shalt  }
0x76: {  	_ =	shalt  }
0x77: {  	_ =	shalt  }
0x78: {  	_ =	shalt  }
0x79: {  	_ =	shalt  }
0x7a: {  	_ =	shalt  }
0x7b: {  	_ =	shalt  }
0x7c: {  	_ =	shalt  }
0x7d: {  	_ =	shalt  }
0x7e: {  	_ =	shalt  }
0x7f: {  	_ =	shalt  }
0x80: {  	_ =	shalt  }
0x81: {  	_ =	shalt  }
0x82: {  	_ =	shalt  }
0x83: {  	_ =	shalt  }
0x84: {  	_ =	shalt  }
0x85: {  	_ =	shalt  }
0x86: {  	_ =	shalt  }
0x87: {  	_ =	shalt  }
.Lfunc_end0:
.L_simem_size_0:
called_computation_lowered:
.L_overlay_start_0:
0x88: {  	s2 =	sld [smem:$0x3FD9]  }
0x89: {  	s3 =	sld [smem:$0x3FFE];
	_ =	sdelay $0x1  }
0x8a: {  	s1 =	srdreg.scid  }
0x8b: {  	s0 =	sand.u32 $0x1, s1  }
0x8c: {  	s18 =	sshll.u32 s0, $0xA;
	s2 =	sadd.s32 s3, s2  }
0x8d: {  	s2 =	sadd.s32 s2, s18  }
0x8e: {  	[smem:$0x3FC6] =	sst s2  }
0x8f: {  	_ = 	snop  }
0x90: {  	s2 =	sld [smem:$0x3FC9]  }
0x91: {  	s19 =	sld [smem:$0x3FC8]  }
0x92: {  	s4 =	sld [smem:$0x3FD0];
	(tm) =	ssettm $0x1  }
0x93: {  	s5 =	sld [smem:$0x3FFB];
	_ =	sdelay $0x3  }
0x94: {  	_ =	strace s5  }
0x95: {  	s5 =	sld [smem:$0x3FFC];
	_ =	sdelay $0x3  }
0x96: {  	_ =	strace s5  }
0x97: {  	s5 =	sld [smem:$0x3FFD];
	_ =	sdelay $0x3  }
0x98: {  	_ =	strace s5  }
0x99: {  	_ =	strace $0x8FFFFFFF  }
0x9a: {  	s20 =	sld [smem:$0x3FDB];
	_ =	sdelay $0x1  }
0x9b: {  	s6 =	simm.s32 $_scs_section_size  }
0x9c: {  	s7 =	simm.s32 $_size__tile_overlayer_lowered;
	s8 =	simm.s32 $_tile_overlayer_lowered  }
0x9d: {  	s23 =	simm.s32 $0x1BFF;
	s22 =	sshll.u32 s8, $0x1;
	s5 =	sadd.s32 s6, s20  }
0x9e: {  	s9 =	simm.s32 $0x0;
	s21 =	sshll.u32 s7, $0x1;
	s7 =	sadd.s32 s22, s5  }
0x9f: {  	[timem:s9], [sflag:s23] =	dma.local [hbm:s7], s21  }
0xa0: {  	_ =	swait.ge [sflag:s23], s21  }
0xa1: {  	s6 =	ssub.s32 $0x0, s21;
	[sflag:s23] =	ssyncset.done $0x0  }
0xa2: {  	[sflag:s23] =	ssyncadd.s32 s6;
	_ =	sdelay $0x1  }
0xa3: {  	s24 =	simm.s32 $0x1B8B  }
0xa4: {  	_ =	swait.ge [sflag:s24], $0x1  }
0xa5: {  	[sflag:s24] =	ssyncset.done $0x0  }
0xa6: {  	s25 =	simm.s32 $0x1B8E;
	[sflag:s24] =	ssyncadd.s32 $0xFFFFFFFF  }
0xa7: {  	s26 =	simm.s32 $execute0_lowered;
	[smem:$0x3FD2] =	sst s25  }
0xa8: {  	s6 =	sshll.u32 s26, $0x1;
	_ =	strace $0x80000046;
	[dreg:$0x1] =	wrdreg $0xFFFFFFFF  }
0xa9: {  	s28 =	simm.s32 $_size_execute0_lowered;
	s5 =	sadd.s32 s5, s6;
	[dreg:$0x0] =	wrdreg $0x0  }
0xaa: {  	s6 =	sshll.u32 s28, $0x1;
	[dreg:$0x2] =	wrdreg s5  }
0xab: {  	[dreg:$0x3] =	wrdreg s6  }
0xac: {  	[dreg:$0x4] =	wrdreg $0xC0  }
0xad: {  	_ =	task [dreg:s9], $0x5FFFF  }
0xae: {  	[dreg:$0x1] =	wrdreg $0xFFFFFFFF  }
0xaf: {  	[dreg:$0x0] =	wrdreg $0x60  }
0xb0: {  	[dreg:$0x2] =	wrdreg s2  }
0xb1: {  	[dreg:$0x3] =	wrdreg s19  }
0xb2: {  	[dreg:$0x4] =	wrdreg s4  }
0xb3: {  	[dreg:$0x5] =	wrdreg $0x9  }
0xb4: {  	_ =	task.clear_ibuf [dreg:s9], $0x6FFFF;
	_ =	strace $0x90000046  }
0xb5: {  	s29 =	simm.s32 $0x9;
	_ =	strace $0x80000048  }
0xb6: {  	_ =	swait.ge [sflag:s29], $0x1  }
0xb7: {  	[sflag:s29] =	ssyncadd.s32 $0xFFFFFFFF  }
0xb8: {  	_ =	strace $0x90000048  }
0xb9: {  	_ =	sfence  }
0xba: {  	s30 =	sld [smem:$0x0];
	_ =	sdelay $0x2  }
0xbb: {  	s31 =	sshll.u32 s1, $0xD;
	s1 =	sshrl.u32 s1, $0x2  }
0xbc: {  	s3 =	sand.u32 $0x4000, s31;
	s1 =	sadd.s32 s1, s30  }
0xbd: {  	s0 =	sor.u32 s3, s0;
	s1 =	sshll.u32 s1, $0x11  }
0xbe: {  	s0 =	sor.u32 s1, s0  }
0xbf: {  	s0 =	sadd.s32 $0x8F2B, s0  }
0xc0: {  	[sflag:s0] =	ssyncadd.remote.s32 $0x1  }
0xc1: {  	_ =	sfence.sel $0xFFFF  }
0xc2: {  	[dreg:$0x0] =	wrdreg $0xFFFFFFFF;
	(pc) =	sbr.abs _section_cstart, $3  }
0xc3: {  	[dreg:$0x1] =	wrdreg $0xFFFFFFFF  }
0xc4: {  	_ =	task.clear_ibuf [dreg:s9], $0x2FFFF;
	_ =	strace $0x9FFFFFFF  }
0xc5: {  	(tm) =	ssettm $0x7FFFFFFF  }
tec
execute0_lowered:
.L_overlay_start_1:
0x0: {  	(tag) =	ssettag $0x1  }
0x1: {  	s0 =	srdreg.scid  }
0x2: {  	s1 =	stileid.u32;
	s2 =	rddreg [dreg:$0x0]  }
0x3: {  	s4 =	rddreg [dreg:$0x1];
	s0 =	sand.u32 $0x1, s0;
	s1 =	sshll.u32 s1, $0x1  }
0x4: {  	s12 =	simm.s32 $0x80;
	s13 =	simm.s32 $0x400;
	s1 =	sor.u32 s0, s1  }
0x5: {  	s14 =	simm.s32 $0xC380;
	s15 =	simm.s32 $0x1;
	s1 =	smul.u32 $0x34, s1  }
0x6: {  	s16 =	simm.s32 $0x2;
	s17 =	simm.s32 $0x1C700;
	s29 =	sshll.u32 s0, $0x9  }
0x7: {  	s0 =	ssub.s32 $0x2, s0;
	s3 =	sshrl.u32 s1, $0x6;
	s5 =	sshrl.u32 s1, $0x3  }
0x8: {  	s30 =	sshrl.u32 s0, $0x1;
	s3 =	smul.u32 $0x61C000, s3;
	s6 =	sand.u32 $0x7, s5  }
0x9: {  	s18 =	simm.s32 $0x3;
	s0 =	ssub.s32 s0, s30;
	s7 =	smul.u32 $0xC3800, s6  }
0xa: {  	s19 =	simm.s32 $0x1E700;
	s20 =	simm.s32 $0x18700;
	s0 =	smax.u32 s0, $0x1  }
0xb: {  	s5 =	rddreg [dreg:$0x2];
	s6 =	simm.s32 $0x0;
	s3 =	sadd.s32 s3, s7  }
.Ltmp0:
0xc: {  	[smem:$0x7FF] =	sst s6;
	s3 =	sor.u32 s29, s3;
	(pc) =	sbr.rel .LBB2_1-.Ltmp0, $4  }
0xd: {  	_ =	strace $0x80000047;
	s8 =	sadd.s32 $0x61C00, s3;
	s3 =	sshrl.u32 s3, $0x3  }
0xe: {  	[dreg:$0x6] =	wrdreg s0;
	s8 =	sshrl.u32 s8, $0x3;
	s3 =	sadd.s32 s4, s3  }
0xf: {  	s21 =	simm.s32 $0x0;
	[dreg:$0x4] =	wrdreg s3;
	s31 =	sadd.s32 s4, s8  }
0x10: {  	v0 =	vlaneseq.u32;
	v1 =	vimm.s32 $0x0;
	s9 =	sadd.s32 $0x2000, s2;
	s10 =	sadd.s32 $0x2000, s5;
	[dreg:$0x5] =	wrdreg s31  }
.LBB2_40:
0x11: {  	s21 =	sadd.s32 $0x1, s21;
	s0 =	rddreg [dreg:$0x6]  }
0x12: {  	p0 =	sne.s32 s21, s0  }
.Ltmp1:
0x13: {  	_ = 	snop;
	(pc) =	sbr.rel @!p0 .LBB2_41-.Ltmp1, $1  }
0x14: {  	_ =	sdelay $0x3  }
.LBB2_1:
.Ltmp2:
0x15: {  	(pc) =	sbr.rel .LBB2_2-.Ltmp2, $4  }
0x16: {  	s0 =	rddreg [dreg:$0x4]  }
0x17: {  	[tilespmem:s6], [sflag:$0x1] =	stream.strided.gather [hbm4b:s0+s12], $0xC380, s13, s12, $0x38;
	[tilespmem:$0x1F700] =	vst v63  }
0x18: {  	s31 =	rddreg [dreg:$0x5];
	s23 =	simm.s32 $0xFFFFFFFF;
	s22 =	simm.s32 $0x0  }
0x19: {  	[tilespmem:s14], [sflag:$0x2] =	stream.strided.gather [hbm4b:s31+s12], $0xC380, s13, s12, $0x38;
	[tilespmem:$0x1F700] =	vst v63  }
.LBB2_38:
0x1a: {  	_ =	sdelay $0x3  }
0x1b: {  	[tilespmem:v3+s17+$0x0] =	vst.idx.msk $0xffff, v2  }
.LBB2_39:
0x1c: {  	s0 =	sor.u32 @!p0 s29, s24  }
0x1d: {  	s0 =	sadd.s32 @!p0 s28, s0  }
0x1e: {  	s0 =	sadd.s32 @!p0 $0x61C00, s0  }
0x1f: {  	s3 =	simm.s32 @!p0 $0x80;
	s7 =	simm.s32 @!p0 $0x400;
	s0 =	sshrl.u32 @!p0 s0, $0x3  }
0x20: {  	s8 =	simm.s32 @!p0 $0xC380;
	s22 =	sadd.s32 $0x1, s22;
	s0 =	sadd.s32 @!p0 s4, s0  }
0x21: {  	[tilespmem:s8], [sflag:$0x2] =	stream.strided.gather @!p0 [hbm4b:s0+s3], $0xC380, s7, s3, $0x38;
	[tilespmem:$0x1F700] =	vst v63  }
0x22: {  	p0 =	sne.s32 s22, $0x34  }
.Ltmp3:
0x23: {  	s31 =	sadd.s32 s25, s10;
	(pc) =	sbr.rel @!p0 .LBB2_40-.Ltmp3, $4  }
0x24: {  	[hbm4b:s31+s12] =	stream.strided.scatter [tilespmem:s17], [sflag:$0x3], $0x2000, s13, s12, $0x38;
	[tilespmem:$0x1F700] =	vst v63  }
0x25: {  	_ =	swait.ge [sflag:s18], $0x2000  }
0x26: {  	[sflag:s18] =	ssyncset.done $0x0  }
0x27: {  	[sflag:s18] =	ssyncadd.s32 $0xFFFFE000  }
.LBB2_2:
0x28: {  	s24 =	sadd.s32 s1, s22  }
0x29: {  	s0 =	smov.u32 s23;
	s23 =	sshrl.u32 s24, $0x6  }
0x2a: {  	p0 =	seq.s32 s23, s0  }
.Ltmp4:
0x2b: {  	_ = 	snop;
	(pc) =	sbr.rel @p0 .LBB2_12-.Ltmp4, $1  }
0x2c: {  	_ =	sdelay $0x3  }
0x2d: {  	s0 =	sshll.u32 s23, $0xB;
	s3 =	sshll.u32 s23, $0x4  }
0x2e: {  	s26 =	sand.u32 $0xFFFC000, s0;
	s25 =	sand.u32 $0x70, s3  }
0x2f: {  	p1 =	por $0x1, $0x1;
	s29 =	simm.s32 $0x0;
	s0 =	sor.u32 s25, s26  }
0x30: {  	s31 =	simm.s32 $0x2000;
	s30 =	simm.s32 $0x0;
	s28 =	sadd.s32 s2, s0  }
.LBB2_4:
0x31: {  	s0 =	sadd.s32 s30, s28  }
0x32: {  	[tilespmem:s19], [sflag:$0x3] =	stream.strided.gather [hbm4b:s0+s12], $0x1000, s13, s12, $0x38;
	[tilespmem:$0x1F700] =	vst v63  }
0x33: {  	_ =	swait.ge [sflag:s18], $0x1000  }
0x34: {  	[sflag:s18] =	ssyncset.done $0x0  }
0x35: {  	s8 =	simm.s32 $0x0;
	[sflag:s18] =	ssyncadd.s32 $0xFFFFF000  }
0x36: {  	v2 =	vld [tilespmem:s8+$0x1E700];
	_ =	sdelay $0x4  }
0x37: {  	vm1 =	vlt.s32 v2, $0xC380  }
0x38: {  	vm0 =	vge.s32 v2, $0xC380;
	v3 =	vsel vm1, $0x1, v1  }
0x39: {  	(xrf0) =	vadd.scan.msk.s32 $0xffff, v3;
	v3 =	vsel vm0, $0x1, v1  }
0x3a: {  	(xrf0) =	vadd.scan.msk.s32 $0xffff, v3;
	_ =	sdelay $0x2  }
0x3b: {  	v2 =	vshll.u32 v2, $0xD  }
0x3c: {  	v5 =	vor.u32 s30, v0  }
0x3d: {  	s11 =	sadd.s32 $0xFFFFFFFF, s29;
	v6 =	vor.u32 v5, v2;
	v3, _, _ =	vpop (xrf0)  }
0x3e: {  	v5 =	vadd.s32 v5, v2;
	v4 =	vadd.s32 s11, v3;
	v2, _, _ =	vpop (xrf0);
	(v2sf) =	vpush v3, $0xF  }
0x3f: {  	v2 =	vsub.s32 s31, v2;
	_ =	sdelay $0x3  }
0x40: {  	p0 =	por p1, p1;
	s3 =	simm.s32 $0x40;
	s0 =	simm.s32 $0x80;
	v3 =	vadd.s32 $0xE7900000, v5;
	[tilespmem:v4+s20+$0x0] =	vst.idx.msk vm1, v6  }
.LBB2_5:
0x41: {  	p1 =	sne.s32 s0, $0x3FC0;
	s7 =	sshra.s32 s3, $0x2;
	[tilespmem:v2+s20+$0x0] =	vst.idx.msk vm0, v3;
	s3 =	smov.u32 s0  }
0x42: {  	v2 =	vld [tilespmem:s7+$0x1E700];
	_ =	sdelay $0x2  }
0x43: {  	s30 =	sadd.s32 $0x10, s30  }
0x44: {  	v3 =	vor.u32 s30, v0  }
0x45: {  	vm0 =	vge.s32 v2, $0xC380;
	vm1 =	vlt.s32 v2, $0xC380;
	v4 =	vshll.u32 v2, $0xD  }
0x46: {  	v2 =	vsel vm1, $0x1, v1;
	v5 =	vor.u32 v3, v4  }
0x47: {  	v6 =	vsel vm0, $0x1, v1;
	(xrf0) =	vadd.scan.msk.s32 $0xffff, v2  }
0x48: {  	(xrf0) =	vadd.scan.msk.s32 $0xffff, v6;
	s7 =	spop (v2sf)  }
0x49: {  	s29 =	sadd.s32 s29, s7;
	s7 =	sadd.s32 s7, s31  }
0x4a: {  	s8 =	sadd.s32 $0xFFFFFFFF, s29;
	s31 =	sadd.s32 $0xFFFFFFF0, s7;
	_ =	sdelay $0x2  }
0x4b: {  	v2, _, _ =	vpop (xrf0)  }
0x4c: {  	v6 =	vadd.s32 s8, v2;
	(v2sf) =	vpush v2, $0xF;
	v2, _, _ =	vpop (xrf0)  }
.Ltmp5:
0x4d: {  	v2 =	vsub.s32 s31, v2;
	(pc) =	sbr.rel @p1 .LBB2_5-.Ltmp5, $3  }
0x4e: {  	_ =	sdelay $0x1  }
0x4f: {  	v3 =	vadd.s32 v3, v4  }
0x50: {  	s0 =	sadd.s32 $0x40, s0;
	v3 =	vadd.s32 $0xE7900000, v3;
	[tilespmem:v6+s20+$0x0] =	vst.idx.msk vm1, v5  }
0x51: {  	_ =	sdelay $0x4  }
0x52: {  	s0 =	sshra.s32 s3, $0x2;
	[tilespmem:v2+s20+$0x0] =	vst.idx.msk vm0, v3  }
0x53: {  	v2 =	vld [tilespmem:s0+$0x1E700];
	_ =	sdelay $0x4  }
0x54: {  	vm15 =	vlt.s32 v2, $0xC380  }
0x55: {  	v3 =	vsel vm15, $0x1, v1  }
0x56: {  	(xrf0) =	vadd.scan.msk.s32 $0xffff, v3;
	_ =	sdelay $0x5  }
0x57: {  	v3, _, _ =	vpop (xrf0)  }
0x58: {  	(v2sf) =	vpush v3, $0xF;
	_ =	sdelay $0x2  }
0x59: {  	vm1 =	vge.s32 v2, $0xC380  }
0x5a: {  	v4 =	vsel vm1, $0x1, v1  }
0x5b: {  	(xrf0) =	vadd.scan.msk.s32 $0xffff, v4;
	_ =	sdelay $0x2  }
0x5c: {  	s7 =	spop (v2sf)  }
0x5d: {  	s3 =	sadd.s32 s29, s7  }
0x5e: {  	s0 =	sadd.s32 s7, s31;
	s7 =	sadd.s32 $0xFFFFFFFF, s3  }
0x5f: {  	s0 =	sadd.s32 $0xFFFFFFF0, s0;
	v3 =	vadd.s32 s7, v3;
	v4, _, _ =	vpop (xrf0)  }
0x60: {  	v4 =	vsub.s32 s0, v4  }
.Ltmp6:
0x61: {  	s8 =	sadd.s32 $0x10, s30;
	(pc) =	sbr.rel @p0 .LBB2_4-.Ltmp6, $4  }
0x62: {  	v5 =	vor.u32 s8, v0;
	v2 =	vshll.u32 v2, $0xD  }
0x63: {  	v6 =	vor.u32 v5, v2;
	v2 =	vadd.s32 v5, v2;
	s11 =	spop (v2sf)  }
0x64: {  	s30 =	simm.s32 $0x1000;
	v2 =	vadd.s32 $0xE7900000, v2;
	[tilespmem:v3+s20+$0x0] =	vst.idx.msk vm15, v6;
	s0 =	sadd.s32 s11, s0  }
0x65: {  	p1 =	por $0x0, $0x0;
	[tilespmem:v4+s20+$0x0] =	vst.idx.msk vm1, v2;
	s29 =	sadd.s32 s3, s11;
	s31 =	sadd.s32 $0xFFFFFFF0, s0  }
0x66: {  	[smem:$0x0] =	sst s29;
	s0 =	ssub.s32 $0x2000, s31;
	s3 =	sadd.s32 s26, s9  }
0x67: {  	s26 =	simm.s32 $0x0;
	p1 =	por $0x1, $0x1;
	s28 =	simm.s32 $0x2000  }
0x68: {  	s29 =	simm.s32 $0x4000;
	[smem:$0x1] =	sst s0;
	s25 =	sadd.s32 s25, s3  }
.LBB2_8:
0x69: {  	s0 =	sadd.s32 s26, s25  }
0x6a: {  	[tilespmem:s19], [sflag:$0x3] =	stream.strided.gather [hbm4b:s0+s12], $0x1000, s13, s12, $0x38;
	[tilespmem:$0x1F700] =	vst v63  }
0x6b: {  	_ =	swait.ge [sflag:s18], $0x1000  }
0x6c: {  	[sflag:s18] =	ssyncset.done $0x0  }
0x6d: {  	s30 =	simm.s32 $0x0;
	[sflag:s18] =	ssyncadd.s32 $0xFFFFF000  }
0x6e: {  	v2 =	vld [tilespmem:s30+$0x1E700];
	_ =	sdelay $0x4  }
0x6f: {  	vm1 =	vlt.s32 v2, $0xC380  }
0x70: {  	vm0 =	vge.s32 v2, $0xC380;
	v3 =	vsel vm1, $0x1, v1  }
0x71: {  	(xrf0) =	vadd.scan.msk.s32 $0xffff, v3;
	v3 =	vsel vm0, $0x1, v1  }
0x72: {  	(xrf0) =	vadd.scan.msk.s32 $0xffff, v3;
	_ =	sdelay $0x2  }
0x73: {  	v2 =	vshll.u32 v2, $0xD  }
0x74: {  	v5 =	vor.u32 s26, v0  }
0x75: {  	s31 =	sadd.s32 $0xFFFFFFFF, s28;
	v6 =	vor.u32 v5, v2;
	v3, _, _ =	vpop (xrf0)  }
0x76: {  	v5 =	vadd.s32 v5, v2;
	v4 =	vadd.s32 s31, v3;
	v2, _, _ =	vpop (xrf0);
	(v2sf) =	vpush v3, $0xF  }
0x77: {  	v2 =	vsub.s32 s29, v2;
	_ =	sdelay $0x3  }
0x78: {  	p0 =	por p1, p1;
	s3 =	simm.s32 $0x40;
	s0 =	simm.s32 $0x80;
	v3 =	vadd.s32 $0xE7900000, v5;
	[tilespmem:v4+s20+$0x0] =	vst.idx.msk vm1, v6  }
.LBB2_9:
0x79: {  	p1 =	sne.s32 s0, $0x3FC0;
	s7 =	sshra.s32 s3, $0x2;
	[tilespmem:v2+s20+$0x0] =	vst.idx.msk vm0, v3;
	s3 =	smov.u32 s0  }
0x7a: {  	v2 =	vld [tilespmem:s7+$0x1E700];
	_ =	sdelay $0x2  }
0x7b: {  	s26 =	sadd.s32 $0x10, s26  }
0x7c: {  	v3 =	vor.u32 s26, v0  }
0x7d: {  	vm0 =	vge.s32 v2, $0xC380;
	vm1 =	vlt.s32 v2, $0xC380;
	v4 =	vshll.u32 v2, $0xD  }
0x7e: {  	v2 =	vsel vm1, $0x1, v1;
	v5 =	vor.u32 v3, v4  }
0x7f: {  	v6 =	vsel vm0, $0x1, v1;
	(xrf0) =	vadd.scan.msk.s32 $0xffff, v2  }
0x80: {  	(xrf0) =	vadd.scan.msk.s32 $0xffff, v6;
	s7 =	spop (v2sf)  }
0x81: {  	s28 =	sadd.s32 s28, s7;
	s7 =	sadd.s32 s7, s29  }
0x82: {  	s8 =	sadd.s32 $0xFFFFFFFF, s28;
	s29 =	sadd.s32 $0xFFFFFFF0, s7;
	_ =	sdelay $0x2  }
0x83: {  	v2, _, _ =	vpop (xrf0)  }
0x84: {  	v6 =	vadd.s32 s8, v2;
	(v2sf) =	vpush v2, $0xF;
	v2, _, _ =	vpop (xrf0)  }
.Ltmp7:
0x85: {  	v2 =	vsub.s32 s29, v2;
	(pc) =	sbr.rel @p1 .LBB2_9-.Ltmp7, $3  }
0x86: {  	_ =	sdelay $0x1  }
0x87: {  	v3 =	vadd.s32 v3, v4  }
0x88: {  	s0 =	sadd.s32 $0x40, s0;
	v3 =	vadd.s32 $0xE7900000, v3;
	[tilespmem:v6+s20+$0x0] =	vst.idx.msk vm1, v5  }
0x89: {  	_ =	sdelay $0x4  }
0x8a: {  	s0 =	sshra.s32 s3, $0x2;
	[tilespmem:v2+s20+$0x0] =	vst.idx.msk vm0, v3  }
0x8b: {  	v2 =	vld [tilespmem:s0+$0x1E700];
	_ =	sdelay $0x4  }
0x8c: {  	vm15 =	vlt.s32 v2, $0xC380  }
0x8d: {  	v3 =	vsel vm15, $0x1, v1  }
0x8e: {  	(xrf0) =	vadd.scan.msk.s32 $0xffff, v3;
	_ =	sdelay $0x5  }
0x8f: {  	v3, _, _ =	vpop (xrf0)  }
0x90: {  	(v2sf) =	vpush v3, $0xF;
	_ =	sdelay $0x2  }
0x91: {  	vm1 =	vge.s32 v2, $0xC380  }
0x92: {  	v4 =	vsel vm1, $0x1, v1  }
0x93: {  	(xrf0) =	vadd.scan.msk.s32 $0xffff, v4;
	_ =	sdelay $0x2  }
0x94: {  	s8 =	spop (v2sf)  }
0x95: {  	s11 =	sadd.s32 s28, s8  }
0x96: {  	s0 =	sadd.s32 s8, s29;
	s7 =	sadd.s32 $0xFFFFFFFF, s11  }
0x97: {  	s0 =	sadd.s32 $0xFFFFFFF0, s0;
	v3 =	vadd.s32 s7, v3;
	v4, _, _ =	vpop (xrf0)  }
0x98: {  	v4 =	vsub.s32 s0, v4  }
.Ltmp8:
0x99: {  	s30 =	sadd.s32 $0x10, s26;
	(pc) =	sbr.rel @p0 .LBB2_8-.Ltmp8, $4  }
0x9a: {  	v5 =	vor.u32 s30, v0;
	v2 =	vshll.u32 v2, $0xD  }
0x9b: {  	v6 =	vor.u32 v5, v2;
	v2 =	vadd.s32 v5, v2;
	s31 =	spop (v2sf)  }
0x9c: {  	s26 =	simm.s32 $0x1000;
	v2 =	vadd.s32 $0xE7900000, v2;
	[tilespmem:v3+s20+$0x0] =	vst.idx.msk vm15, v6;
	s0 =	sadd.s32 s31, s0  }
0x9d: {  	p1 =	por $0x0, $0x0;
	[tilespmem:v4+s20+$0x0] =	vst.idx.msk vm1, v2;
	s28 =	sadd.s32 s11, s31;
	s29 =	sadd.s32 $0xFFFFFFF0, s0  }
0x9e: {  	s0 =	sadd.s32 $0xFFFFE000, s28  }
0x9f: {  	s31 =	ssub.s32 $0x4000, s29;
	[smem:$0x2] =	sst s0  }
0xa0: {  	[smem:$0x3] =	sst s31  }
.LBB2_12:
0xa1: {  	_ =	swait.ge [sflag:s15], $0xC380  }
0xa2: {  	[sflag:s15] =	ssyncset.done $0x0  }
0xa3: {  	[sflag:s15] =	ssyncadd.s32 $0xFFFF3C80  }
0xa4: {  	_ =	swait.ge [sflag:s16], $0xC380  }
0xa5: {  	[sflag:s16] =	ssyncset.done $0x0  }
0xa6: {  	[sflag:s16] =	ssyncadd.s32 $0xFFFF3C80  }
0xa7: {  	s25 =	sld [smem:$0x0];
	_ =	sdelay $0x2  }
0xa8: {  	s0 =	sshra.s32 s25, $0x6  }
0xa9: {  	p0 =	slt.s32 s0, $0x1  }
.Ltmp9:
0xaa: {  	_ = 	snop;
	(pc) =	sbr.rel @p0 .LBB2_14-.Ltmp9, $2  }
0xab: {  	_ =	sdelay $0x2  }
0xac: {  	s3 =	simm.s32 $0x18720;
	s26 =	smov.u32 s0  }
.LBB2_13:
0xad: {  	v2 =	vld [tilespmem:s3+$0xFFFFFFE0];
	_ =	sdelay $0x4  }
0xae: {  	v3 =	vshra.s32 v2, $0xD;
	_ =	sdelay $0x4  }
0xaf: {  	v2 =	vand.u32 $0x1FFF, v2;
	v3 =	vld.idx.msk [tilespmem:v3+s6+$0x0], $0xffff;
	_ =	sdelay $0x4  }
0xb0: {  	[tilespmem:v2+s17+$0x0] =	vst.idx.msk $0xffff, v3  }
0xb1: {  	v2 =	vld [tilespmem:s3+$0xFFFFFFF0];
	_ =	sdelay $0x4  }
0xb2: {  	v3 =	vshra.s32 v2, $0xD;
	_ =	sdelay $0x4  }
0xb3: {  	v2 =	vand.u32 $0x1FFF, v2;
	v3 =	vld.idx.msk [tilespmem:v3+s6+$0x0], $0xffff;
	_ =	sdelay $0x4  }
0xb4: {  	[tilespmem:v2+s17+$0x0] =	vst.idx.msk $0xffff, v3  }
0xb5: {  	v2 =	vld [tilespmem:s3+$0x0];
	_ =	sdelay $0x4  }
0xb6: {  	v3 =	vshra.s32 v2, $0xD;
	_ =	sdelay $0x4  }
0xb7: {  	v2 =	vand.u32 $0x1FFF, v2;
	v3 =	vld.idx.msk [tilespmem:v3+s6+$0x0], $0xffff;
	_ =	sdelay $0x4  }
0xb8: {  	[tilespmem:v2+s17+$0x0] =	vst.idx.msk $0xffff, v3  }
0xb9: {  	v2 =	vld [tilespmem:s3+$0x10];
	_ =	sdelay $0x4  }
0xba: {  	v3 =	vshra.s32 v2, $0xD;
	_ =	sdelay $0x4  }
0xbb: {  	p0 =	sne.s32 s26, $0x1;
	v2 =	vand.u32 $0x1FFF, v2;
	v3 =	vld.idx.msk [tilespmem:v3+s6+$0x0], $0xffff  }
.Ltmp10:
0xbc: {  	_ = 	snop;
	(pc) =	sbr.rel @p0 .LBB2_13-.Ltmp10, $2  }
0xbd: {  	_ =	sdelay $0x2  }
0xbe: {  	s26 =	sadd.s32 $0xFFFFFFFF, s26;
	s3 =	sadd.s32 $0x40, s3;
	[tilespmem:v2+s17+$0x0] =	vst.idx.msk $0xffff, v3  }
.LBB2_14:
0xbf: {  	s3 =	sshra.s32 s25, $0x4;
	s26 =	sshll.u32 s0, $0x2  }
0xc0: {  	p0 =	sle.s32 s3, s26  }
.Ltmp11:
0xc1: {  	_ = 	snop;
	(pc) =	sbr.rel @p0 .LBB2_18-.Ltmp11, $1  }
0xc2: {  	_ =	sdelay $0x3  }
0xc3: {  	s3 =	ssub.s32 s3, s26  }
0xc4: {  	p0 =	sne.s32 s3, $0x1  }
.Ltmp12:
0xc5: {  	_ = 	snop;
	(pc) =	sbr.rel @!p0 .LBB2_17-.Ltmp12, $4  }
0xc6: {  	s0 =	sshll.u32 s0, $0x8  }
0xc7: {  	s0 =	sshra.s32 s0, $0x2  }
0xc8: {  	s0 =	sadd.s32 $0x18700, s0  }
0xc9: {  	s3 =	sadd.s32 $0xFFFFFFFF, s3;
	v2 =	vld [tilespmem:s0+$0x0]  }
.LBB2_16:
0xca: {  	p0 =	sne.s32 s3, $0x1;
	_ =	sdelay $0x3  }
0xcb: {  	v3 =	vshra.s32 v2, $0xD;
	_ =	sdelay $0x4  }
0xcc: {  	v3 =	vld.idx.msk [tilespmem:v3+s6+$0x0], $0xffff  }
0xcd: {  	v2 =	vand.u32 $0x1FFF, v2;
	_ =	sdelay $0x1  }
.Ltmp13:
0xce: {  	(pc) =	sbr.rel @p0 .LBB2_16-.Ltmp13, $3  }
0xcf: {  	_ =	sdelay $0x1  }
0xd0: {  	s0 =	sadd.s32 $0x10, s0;
	[tilespmem:v2+s17+$0x0] =	vst.idx.msk $0xffff, v3  }
0xd1: {  	s3 =	sadd.s32 $0xFFFFFFFF, s3;
	v2 =	vld [tilespmem:s0+$0x0]  }
.LBB2_17:
0xd2: {  	_ =	sdelay $0x3  }
0xd3: {  	v3 =	vshra.s32 v2, $0xD;
	_ =	sdelay $0x4  }
0xd4: {  	v2 =	vand.u32 $0x1FFF, v2;
	v3 =	vld.idx.msk [tilespmem:v3+s6+$0x0], $0xffff;
	_ =	sdelay $0x4  }
0xd5: {  	[tilespmem:v2+s17+$0x0] =	vst.idx.msk $0xffff, v3  }
.LBB2_18:
0xd6: {  	s0 =	sand.u32 $0xF, s25  }
0xd7: {  	p0 =	seq.s32 s0, $0x0  }
0xd8: {  	s0 =	sand.u32 @!p0 $0xFFFFFFF0, s25  }
0xd9: {  	v2 =	vld @!p0 [tilespmem:s0+$0x18700];
	_ =	sdelay $0x1  }
0xda: {  	v3 =	vlaneseq.u32 @!p0  }
0xdb: {  	v3 =	vor.u32 @!p0 s0, v3  }
0xdc: {  	vm0 =	vlt.s32 @!p0 v3, s25  }
0xdd: {  	v4 =	vshra.s32 @!p0 v2, $0xD;
	_ =	sdelay $0x3  }
0xde: {  	s3 =	simm.s32 @!p0 $0x0  }
0xdf: {  	v2 =	vand.u32 @!p0 $0x1FFF, v2;
	v4 =	vld.idx.msk @!p0 [tilespmem:v4+s3+$0x0], vm0;
	_ =	sdelay $0x3  }
0xe0: {  	s7 =	simm.s32 @!p0 $0x1C700  }
0xe1: {  	[tilespmem:v2+s7+$0x0] =	vst.idx.msk @!p0 vm0, v4  }
0xe2: {  	v2 =	vld @!p0 [tilespmem:s0+$0x18700];
	_ =	sdelay $0x3  }
0xe3: {  	vm0 =	vge.s32 @!p0 v3, s25  }
0xe4: {  	v3 =	vshra.s32 @!p0 v2, $0xD;
	_ =	sdelay $0x3  }
0xe5: {  	s31 =	sadd.s32 $0xF, s25;
	s0 =	simm.s32 @!p0 $0xC380  }
0xe6: {  	v3 =	vld.idx.msk @!p0 [tilespmem:v3+s0+$0x0], vm0;
	s0 =	sshra.s32 s31, $0x4  }
0xe7: {  	s25 =	ssub.s32 $0x200, s0  }
0xe8: {  	s3 =	sshra.s32 s25, $0x2  }
0xe9: {  	v2 =	vand.u32 @!p0 $0x1FFF, v2;
	p1 =	slt.s32 s3, $0x1  }
.Ltmp14:
0xea: {  	_ = 	snop;
	(pc) =	sbr.rel @p1 .LBB2_21-.Ltmp14, $2  }
0xeb: {  	_ =	sdelay $0x2  }
0xec: {  	s0 =	sshll.u32 s0, $0x6;
	[tilespmem:v2+s7+$0x0] =	vst.idx.msk @!p0 vm0, v3  }
0xed: {  	s7 =	sshra.s32 s0, $0x2  }
0xee: {  	s26 =	sadd.s32 $0x18720, s7  }
.LBB2_20:
0xef: {  	v2 =	vld [tilespmem:s26+$0xFFFFFFE0];
	_ =	sdelay $0x4  }
0xf0: {  	v3 =	vshra.s32 v2, $0xD;
	_ =	sdelay $0x4  }
0xf1: {  	v2 =	vand.u32 $0x1FFF, v2;
	v3 =	vld.idx.msk [tilespmem:v3+s14+$0x0], $0xffff;
	_ =	sdelay $0x4  }
0xf2: {  	[tilespmem:v2+s17+$0x0] =	vst.idx.msk $0xffff, v3  }
0xf3: {  	v2 =	vld [tilespmem:s26+$0xFFFFFFF0];
	_ =	sdelay $0x4  }
0xf4: {  	v3 =	vshra.s32 v2, $0xD;
	_ =	sdelay $0x4  }
0xf5: {  	v2 =	vand.u32 $0x1FFF, v2;
	v3 =	vld.idx.msk [tilespmem:v3+s14+$0x0], $0xffff;
	_ =	sdelay $0x4  }
0xf6: {  	[tilespmem:v2+s17+$0x0] =	vst.idx.msk $0xffff, v3  }
0xf7: {  	v2 =	vld [tilespmem:s26+$0x0];
	_ =	sdelay $0x4  }
0xf8: {  	v3 =	vshra.s32 v2, $0xD;
	_ =	sdelay $0x4  }
0xf9: {  	v2 =	vand.u32 $0x1FFF, v2;
	v3 =	vld.idx.msk [tilespmem:v3+s14+$0x0], $0xffff;
	_ =	sdelay $0x4  }
0xfa: {  	[tilespmem:v2+s17+$0x0] =	vst.idx.msk $0xffff, v3  }
0xfb: {  	v2 =	vld [tilespmem:s26+$0x10];
	_ =	sdelay $0x4  }
0xfc: {  	v3 =	vshra.s32 v2, $0xD;
	_ =	sdelay $0x4  }
0xfd: {  	p0 =	sne.s32 s3, $0x1;
	v2 =	vand.u32 $0x1FFF, v2;
	v3 =	vld.idx.msk [tilespmem:v3+s14+$0x0], $0xffff  }
.Ltmp15:
0xfe: {  	_ = 	snop;
	(pc) =	sbr.rel @p0 .LBB2_20-.Ltmp15, $2  }
0xff: {  	_ =	sdelay $0x2  }
0x100: {  	s3 =	sadd.s32 $0xFFFFFFFF, s3;
	s26 =	sadd.s32 $0x40, s26;
	[tilespmem:v2+s17+$0x0] =	vst.idx.msk $0xffff, v3  }
.LBB2_21:
0x101: {  	s3 =	sand.u32 $0xFFFFFFFC, s25  }
0x102: {  	p0 =	seq.s32 s3, s25  }
.Ltmp16:
0x103: {  	_ = 	snop;
	(pc) =	sbr.rel @p0 .LBB2_25-.Ltmp16, $1  }
0x104: {  	_ =	sdelay $0x3  }
0x105: {  	s7 =	sshll.u32 s25, $0x6  }
0x106: {  	s7 =	sand.u32 $0xFFFFFF00, s7  }
0x107: {  	s0 =	sadd.s32 s0, s7  }
0x108: {  	s0 =	sshra.s32 s0, $0x2  }
0x109: {  	s0 =	sadd.s32 $0x18700, s0  }
0x10a: {  	v3 =	vld [tilespmem:s0+$0x0];
	_ =	sdelay $0x3  }
0x10b: {  	s3 =	sadd.s32 $0x1, s3  }
0x10c: {  	p0 =	slt.s32 s3, s25;
	v2 =	vshra.s32 v3, $0xD  }
.Ltmp17:
0x10d: {  	_ = 	snop;
	(pc) =	sbr.rel @!p0 .LBB2_24-.Ltmp17, $2  }
0x10e: {  	_ =	sdelay $0x2  }
0x10f: {  	v3 =	vand.u32 $0x1FFF, v3;
	v2 =	vld.idx.msk [tilespmem:v2+s14+$0x0], $0xffff  }
.LBB2_23:
0x110: {  	_ =	sdelay $0x3  }
0x111: {  	s3 =	sadd.s32 $0x1, s3;
	s0 =	sadd.s32 $0x10, s0;
	[tilespmem:v3+s17+$0x0] =	vst.idx.msk $0xffff, v2  }
0x112: {  	p0 =	slt.s32 s3, s25;
	v3 =	vld [tilespmem:s0+$0x0];
	_ =	sdelay $0x4  }
0x113: {  	v2 =	vshra.s32 v3, $0xD;
	_ =	sdelay $0x1  }
.Ltmp18:
0x114: {  	(pc) =	sbr.rel @p0 .LBB2_23-.Ltmp18, $3  }
0x115: {  	_ =	sdelay $0x1  }
0x116: {  	v2 =	vld.idx.msk [tilespmem:v2+s14+$0x0], $0xffff  }
0x117: {  	v3 =	vand.u32 $0x1FFF, v3  }
.LBB2_24:
0x118: {  	_ =	sdelay $0x3  }
0x119: {  	[tilespmem:v3+s17+$0x0] =	vst.idx.msk $0xffff, v2  }
.LBB2_25:
0x11a: {  	s0 =	sshll.u32 s24, $0xB  }
0x11b: {  	s3 =	sshll.u32 s24, $0x4;
	s7 =	sshll.u32 s23, $0x11;
	s0 =	sand.u32 $0x1C000, s0  }
0x11c: {  	s3 =	sand.u32 $0x70, s3;
	s0 =	sor.u32 s0, s7  }
0x11d: {  	s25 =	sor.u32 s3, s0  }
0x11e: {  	s0 =	sadd.s32 s5, s25  }
0x11f: {  	[hbm4b:s0+s12] =	stream.strided.scatter [tilespmem:s17], [sflag:$0x3], $0x2000, s13, s12, $0x38;
	[tilespmem:$0x1F700] =	vst v63  }
0x120: {  	_ =	swait.ge [sflag:s18], $0x2000  }
0x121: {  	[sflag:s18] =	ssyncset.done $0x0  }
0x122: {  	[sflag:s18] =	ssyncadd.s32 $0xFFFFE000  }
0x123: {  	s26 =	sld [smem:$0x2];
	_ =	sdelay $0x2  }
0x124: {  	s0 =	sshra.s32 s26, $0x6  }
0x125: {  	p0 =	slt.s32 s0, $0x1  }
.Ltmp19:
0x126: {  	_ = 	snop;
	(pc) =	sbr.rel @p0 .LBB2_28-.Ltmp19, $1  }
0x127: {  	_ =	sdelay $0x3  }
0x128: {  	s3 =	simm.s32 $0x1A730;
	s28 =	simm.s32 $0x0;
	s29 =	smov.u32 s0  }
.LBB2_27:
0x129: {  	s7 =	sand.u32 $0xFFFFFFC0, s28  }
0x12a: {  	v2 =	vld [tilespmem:s7+$0x1A700];
	_ =	sdelay $0x4  }
0x12b: {  	v3 =	vshra.s32 v2, $0xD;
	_ =	sdelay $0x4  }
0x12c: {  	v2 =	vand.u32 $0x1FFF, v2;
	v3 =	vld.idx.msk [tilespmem:v3+s6+$0x0], $0xffff;
	_ =	sdelay $0x4  }
0x12d: {  	[tilespmem:v2+s17+$0x0] =	vst.idx.msk $0xffff, v3  }
0x12e: {  	v2 =	vld [tilespmem:s3+$0xFFFFFFE0];
	_ =	sdelay $0x4  }
0x12f: {  	v3 =	vshra.s32 v2, $0xD;
	_ =	sdelay $0x4  }
0x130: {  	v2 =	vand.u32 $0x1FFF, v2;
	v3 =	vld.idx.msk [tilespmem:v3+s6+$0x0], $0xffff;
	_ =	sdelay $0x4  }
0x131: {  	[tilespmem:v2+s17+$0x0] =	vst.idx.msk $0xffff, v3  }
0x132: {  	v2 =	vld [tilespmem:s3+$0xFFFFFFF0];
	_ =	sdelay $0x4  }
0x133: {  	v3 =	vshra.s32 v2, $0xD;
	_ =	sdelay $0x4  }
0x134: {  	v2 =	vand.u32 $0x1FFF, v2;
	v3 =	vld.idx.msk [tilespmem:v3+s6+$0x0], $0xffff;
	_ =	sdelay $0x4  }
0x135: {  	[tilespmem:v2+s17+$0x0] =	vst.idx.msk $0xffff, v3  }
0x136: {  	v2 =	vld [tilespmem:s3+$0x0];
	_ =	sdelay $0x4  }
0x137: {  	v3 =	vshra.s32 v2, $0xD;
	_ =	sdelay $0x4  }
0x138: {  	p0 =	sne.s32 s29, $0x1;
	v2 =	vand.u32 $0x1FFF, v2;
	v3 =	vld.idx.msk [tilespmem:v3+s6+$0x0], $0xffff  }
.Ltmp20:
0x139: {  	_ = 	snop;
	(pc) =	sbr.rel @p0 .LBB2_27-.Ltmp20, $2  }
0x13a: {  	_ =	sdelay $0x2  }
0x13b: {  	s28 =	sadd.s32 $0x40, s28;
	s29 =	sadd.s32 $0xFFFFFFFF, s29;
	s3 =	sadd.s32 $0x40, s3;
	[tilespmem:v2+s17+$0x0] =	vst.idx.msk $0xffff, v3  }
.LBB2_28:
0x13c: {  	s3 =	sshra.s32 s26, $0x4;
	s28 =	sshll.u32 s0, $0x2  }
0x13d: {  	p0 =	sle.s32 s3, s28  }
.Ltmp21:
0x13e: {  	_ = 	snop;
	(pc) =	sbr.rel @p0 .LBB2_32-.Ltmp21, $1  }
0x13f: {  	_ =	sdelay $0x3  }
0x140: {  	s3 =	ssub.s32 s3, s28  }
0x141: {  	p0 =	sne.s32 s3, $0x1  }
.Ltmp22:
0x142: {  	_ = 	snop;
	(pc) =	sbr.rel @!p0 .LBB2_31-.Ltmp22, $3  }
0x143: {  	_ =	sdelay $0x1  }
0x144: {  	s0 =	sshll.u32 s0, $0x6  }
0x145: {  	s28 =	sand.u32 $0xFFFFFFF0, s0;
	s3 =	sadd.s32 $0xFFFFFFFF, s3  }
.LBB2_30:
0x146: {  	p0 =	sne.s32 s3, $0x1;
	v2 =	vld [tilespmem:s28+$0x1A700];
	_ =	sdelay $0x4  }
0x147: {  	v3 =	vshra.s32 v2, $0xD;
	_ =	sdelay $0x4  }
0x148: {  	v3 =	vld.idx.msk [tilespmem:v3+s6+$0x0], $0xffff  }
0x149: {  	v2 =	vand.u32 $0x1FFF, v2  }
.Ltmp23:
0x14a: {  	(pc) =	sbr.rel @p0 .LBB2_30-.Ltmp23, $3  }
0x14b: {  	_ =	sdelay $0x1  }
0x14c: {  	s0 =	sadd.s32 $0x10, s0  }
0x14d: {  	s3 =	sadd.s32 $0xFFFFFFFF, s3;
	s28 =	sand.u32 $0xFFFFFFF0, s0;
	[tilespmem:v2+s17+$0x0] =	vst.idx.msk $0xffff, v3  }
.LBB2_31:
0x14e: {  	v2 =	vld [tilespmem:s28+$0x1A700];
	_ =	sdelay $0x4  }
0x14f: {  	v3 =	vshra.s32 v2, $0xD;
	_ =	sdelay $0x4  }
0x150: {  	v2 =	vand.u32 $0x1FFF, v2;
	v3 =	vld.idx.msk [tilespmem:v3+s6+$0x0], $0xffff;
	_ =	sdelay $0x4  }
0x151: {  	[tilespmem:v2+s17+$0x0] =	vst.idx.msk $0xffff, v3  }
.LBB2_32:
0x152: {  	s0 =	sand.u32 $0xFFFFFFF0, s26;
	s3 =	sand.u32 $0xF, s26  }
0x153: {  	s0 =	sadd.s32 $0x2000, s0;
	p1 =	seq.s32 s3, $0x0  }
0x154: {  	s3 =	sand.u32 @!p1 $0xFFFFFF80, s0;
	s7 =	sand.u32 @!p1 $0x70, s26  }
0x155: {  	s3 =	sor.u32 @!p1 s7, s3  }
0x156: {  	v2 =	vld @!p1 [tilespmem:s3+$0x18700];
	_ =	sdelay $0x1  }
0x157: {  	v3 =	vlaneseq.u32 @!p1  }
0x158: {  	v3 =	vor.u32 @!p1 s0, v3;
	s0 =	sadd.s32 @!p1 $0x2000, s26  }
0x159: {  	vm0 =	vlt.s32 @!p1 v3, s0  }
0x15a: {  	v4 =	vshra.s32 @!p1 v2, $0xD  }
0x15b: {  	p0 =	seq.s32 s22, $0x33  }
0x15c: {  	s7 =	sadd.s32 @!p0 $0x1, s24  }
0x15d: {  	s8 =	sshrl.u32 @!p0 s7, $0x6;
	s28 =	sshrl.u32 @!p0 s7, $0x3  }
0x15e: {  	s29 =	simm.s32 @!p1 $0x0;
	s24 =	smul.u32 @!p0 $0x61C000, s8;
	s8 =	sand.u32 @!p0 $0x7, s28  }
0x15f: {  	s28 =	smul.u32 @!p0 $0xC3800, s8;
	v2 =	vand.u32 @!p1 $0x1FFF, v2;
	v4 =	vld.idx.msk @!p1 [tilespmem:v4+s29+$0x0], vm0  }
0x160: {  	s7 =	sshll.u32 @!p0 s7, $0x7  }
0x161: {  	s8 =	sadd.s32 @!p0 s24, s28;
	s29 =	sand.u32 @!p0 $0x380, s7  }
0x162: {  	s7 =	sor.u32 @!p0 s29, s8  }
0x163: {  	s30 =	simm.s32 @!p0 $0x80;
	s8 =	simm.s32 @!p1 $0x1C700;
	s7 =	sshrl.u32 @!p0 s7, $0x3  }
0x164: {  	s31 =	simm.s32 @!p0 $0x400;
	s11 =	simm.s32 @!p0 $0x0;
	s7 =	sadd.s32 @!p0 s4, s7;
	[tilespmem:v2+s8+$0x0] =	vst.idx.msk @!p1 vm0, v4  }
0x165: {  	[tilespmem:s11], [sflag:$0x1] =	stream.strided.gather @!p0 [hbm4b:s7+s30], $0xC380, s31, s30, $0x38;
	[tilespmem:$0x1F700] =	vst v63  }
0x166: {  	v2 =	vld @!p1 [tilespmem:s3+$0x18700];
	_ =	sdelay $0x3  }
0x167: {  	vm0 =	vge.s32 @!p1 v3, s0  }
0x168: {  	v3 =	vshra.s32 @!p1 v2, $0xD  }
0x169: {  	s31 =	sadd.s32 $0xF, s26  }
0x16a: {  	s30 =	sshra.s32 s31, $0x4  }
0x16b: {  	s26 =	ssub.s32 $0x200, s30  }
0x16c: {  	s0 =	simm.s32 @!p1 $0xC380;
	s3 =	sshra.s32 s26, $0x2  }
0x16d: {  	p2 =	slt.s32 s3, $0x1;
	v2 =	vand.u32 @!p1 $0x1FFF, v2;
	v3 =	vld.idx.msk @!p1 [tilespmem:v3+s0+$0x0], vm0  }
.Ltmp24:
0x16e: {  	_ = 	snop;
	(pc) =	sbr.rel @p2 .LBB2_35-.Ltmp24, $2  }
0x16f: {  	_ =	sdelay $0x2  }
0x170: {  	s0 =	sshll.u32 s30, $0x4;
	[tilespmem:v2+s8+$0x0] =	vst.idx.msk @!p1 vm0, v3  }
0x171: {  	s7 =	sshll.u32 s30, $0x6  }
0x172: {  	s7 =	sshra.s32 s7, $0x2  }
0x173: {  	s31 =	smov.u32 s0;
	s30 =	sadd.s32 $0x1A730, s7  }
.LBB2_34:
0x174: {  	s7 =	sand.u32 $0xFFFFFFF0, s31  }
0x175: {  	v2 =	vld [tilespmem:s7+$0x1A700];
	_ =	sdelay $0x4  }
0x176: {  	v3 =	vshra.s32 v2, $0xD;
	_ =	sdelay $0x4  }
0x177: {  	v2 =	vand.u32 $0x1FFF, v2;
	v3 =	vld.idx.msk [tilespmem:v3+s14+$0x0], $0xffff;
	_ =	sdelay $0x4  }
0x178: {  	[tilespmem:v2+s17+$0x0] =	vst.idx.msk $0xffff, v3  }
0x179: {  	v2 =	vld [tilespmem:s30+$0xFFFFFFE0];
	_ =	sdelay $0x4  }
0x17a: {  	v3 =	vshra.s32 v2, $0xD;
	_ =	sdelay $0x4  }
0x17b: {  	v2 =	vand.u32 $0x1FFF, v2;
	v3 =	vld.idx.msk [tilespmem:v3+s14+$0x0], $0xffff;
	_ =	sdelay $0x4  }
0x17c: {  	[tilespmem:v2+s17+$0x0] =	vst.idx.msk $0xffff, v3  }
0x17d: {  	v2 =	vld [tilespmem:s30+$0xFFFFFFF0];
	_ =	sdelay $0x4  }
0x17e: {  	v3 =	vshra.s32 v2, $0xD;
	_ =	sdelay $0x4  }
0x17f: {  	v2 =	vand.u32 $0x1FFF, v2;
	v3 =	vld.idx.msk [tilespmem:v3+s14+$0x0], $0xffff;
	_ =	sdelay $0x4  }
0x180: {  	[tilespmem:v2+s17+$0x0] =	vst.idx.msk $0xffff, v3  }
0x181: {  	v2 =	vld [tilespmem:s30+$0x0];
	_ =	sdelay $0x4  }
0x182: {  	v3 =	vshra.s32 v2, $0xD;
	_ =	sdelay $0x4  }
0x183: {  	p1 =	sne.s32 s3, $0x1;
	v2 =	vand.u32 $0x1FFF, v2;
	v3 =	vld.idx.msk [tilespmem:v3+s14+$0x0], $0xffff  }
.Ltmp25:
0x184: {  	_ = 	snop;
	(pc) =	sbr.rel @p1 .LBB2_34-.Ltmp25, $2  }
0x185: {  	_ =	sdelay $0x2  }
0x186: {  	s31 =	sadd.s32 $0x40, s31;
	s3 =	sadd.s32 $0xFFFFFFFF, s3;
	s30 =	sadd.s32 $0x40, s30;
	[tilespmem:v2+s17+$0x0] =	vst.idx.msk $0xffff, v3  }
.LBB2_35:
0x187: {  	s3 =	sand.u32 $0xFFFFFFFC, s26  }
0x188: {  	p1 =	seq.s32 s3, s26  }
.Ltmp26:
0x189: {  	_ = 	snop;
	(pc) =	sbr.rel @p1 .LBB2_39-.Ltmp26, $1  }
0x18a: {  	_ =	sdelay $0x3  }
0x18b: {  	s7 =	sshll.u32 s26, $0x4  }
0x18c: {  	s7 =	sand.u32 $0xFFFFFFC0, s7  }
0x18d: {  	s7 =	sadd.s32 s0, s7  }
0x18e: {  	s0 =	sand.u32 $0xFFFFFFF0, s7  }
0x18f: {  	v3 =	vld [tilespmem:s0+$0x1A700];
	_ =	sdelay $0x4  }
0x190: {  	v2 =	vshra.s32 v3, $0xD;
	_ =	sdelay $0x2  }
0x191: {  	s0 =	sadd.s32 $0x1, s3  }
0x192: {  	p1 =	slt.s32 s0, s26  }
.Ltmp27:
0x193: {  	v3 =	vand.u32 $0x1FFF, v3;
	v2 =	vld.idx.msk [tilespmem:v2+s14+$0x0], $0xffff;
	(pc) =	sbr.rel @!p1 .LBB2_38-.Ltmp27, $2  }
0x194: {  	_ =	sdelay $0x2  }
0x195: {  	s3 =	sadd.s32 $0x10, s7  }
.LBB2_37:
0x196: {  	s7 =	sand.u32 $0xFFFFFFF0, s3;
	s0 =	sadd.s32 $0x1, s0;
	[tilespmem:v3+s17+$0x0] =	vst.idx.msk $0xffff, v2  }
0x197: {  	v3 =	vld [tilespmem:s7+$0x1A700];
	p1 =	slt.s32 s0, s26;
	_ =	sdelay $0x4  }
0x198: {  	v2 =	vshra.s32 v3, $0xD;
	_ =	sdelay $0x4  }
0x199: {  	v2 =	vld.idx.msk [tilespmem:v2+s14+$0x0], $0xffff  }
.Ltmp28:
0x19a: {  	v3 =	vand.u32 $0x1FFF, v3;
	(pc) =	sbr.rel @p1 .LBB2_37-.Ltmp28, $2  }
0x19b: {  	_ =	sdelay $0x2  }
0x19c: {  	s3 =	sadd.s32 $0x10, s3  }
.Ltmp29:
0x19d: {  	_ = 	snop;
	(pc) =	sbr.rel .LBB2_38-.Ltmp29, $1  }
0x19e: {  	_ =	sdelay $0x3  }
.LBB2_41:
0x19f: {  	_ =	sfence.sel $0x180000  }
0x1a0: {  	[bflag:$0x0] =	sbarrier.arrive $0xFFFF  }
0x1a1: {  	_ =	strace $0x90000047  }
0x1a2: {  	s0 =	stileid.u32;
	[bflag:$0x2] =	sbarrier.arrive $0xFFFF  }
0x1a3: {  	p0 =	sne.s32 s0, $0x0;
	s0 =	rddreg [dreg:$0x3]  }
0x1a4: {  	s0 =	sadd.s32 @!p0 $0x100000, s0  }
0x1a5: {  	[sflag:s0] =	ssyncadd.tile.s32 @!p0 $0x1;
	_ =	shalt  }
.Lfunc_end2:
_tile_overlayer_lowered:
.L_overlay_start_2:
0x1a6: {  	(tag) =	ssettag $0x2  }
0x1a7: {  	s0 =	rddreg [dreg:$0x0];
	s2 =	stileid.u32  }
0x1a8: {  	s1 =	rddreg [dreg:$0x1];
	p0 =	sne.s32 s2, $0x0  }
0x1a9: {  	s3 =	rddreg [dreg:$0x2];
	[bflag:$0x3] =	sbarrier.arrive $0xFFFF;
	s2 =	simm.s32 @!p0 $0x1C03  }
0x1aa: {  	[timem:s3], [sflag:s2] =	dma.local @!p0 [hbm:s0], s1  }
0x1ab: {  	s0 =	simm.s32 @!p0 $0x3  }
0x1ac: {  	_ =	swait.ge @!p0 [sflag:s0], s1  }
0x1ad: {  	s1 =	ssub.s32 @!p0 $0x0, s1;
	[sflag:s0] =	ssyncset.done @!p0 $0x0  }
0x1ae: {  	[sflag:s0] =	ssyncadd.s32 @!p0 s1  }
0x1af: {  	[bflag:$0x3] =	sbarrier.arrive $0xFFFF  }
0x1b0: {  	_ =	shalt  }

</sc_bundles>
